<compile_context>
chip_gen: v7x
topology: tpu7x:2x2x1
jax: 0.10.2.dev20260603
libtpu: 0.0.44.dev20260713+nightly
codegen_flags: <defaults>
</compile_context>

<pallas_src>
import functools

import jax
import jax.numpy as jnp
from jax import lax
from jax.experimental import pallas as pl
from jax.experimental.pallas import tpu as pltpu
from jax.experimental.pallas import tpu_sc as plsc

NC = 2
NS = 16
NW = NC * NS
CHUNK = 128
DEG_W = 16
NBUF = 4


def _mesh():
    return plsc.VectorSubcoreMesh(
        core_axis_name="c", subcore_axis_name="s", num_cores=NC, num_subcores=NS
    )


_SC_PARAMS = pltpu.CompilerParams(use_tc_tiling_on_sc=False)


def _edge_pipeline(gather_slice, src_v, dst_v, acc_sh, rows_v, sems, K):
    gsem = sems[:NBUF]
    ssem = sems[NBUF:]
    T = K // NBUF

    def rslot(b):
        return rows_v.at[pl.ds(b * CHUNK, CHUNK)]

    for b in range(NBUF):
        pltpu.async_copy(gather_slice(src_v.at[b]), rslot(b), gsem[b])

    def outer(t, carry):
        base = t * NBUF
        for b in range(NBUF):
            pltpu.make_async_copy(
                gather_slice(src_v.at[base + b]), rslot(b), gsem[b]).wait()
            pltpu.async_copy(
                rslot(b), acc_sh.at[dst_v.at[base + b]], ssem[b], add=True)

        @pl.when(t + 1 < T)
        def _refill():
            for b in range(NBUF):
                pltpu.make_async_copy(
                    rslot(b), acc_sh.at[dst_v.at[base + b]], ssem[b]).wait()
                pltpu.async_copy(
                    gather_slice(src_v.at[base + NBUF + b]), rslot(b),
                    gsem[b])

        return carry

    lax.fori_loop(0, T, outer, 0)
    for b in range(NBUF):
        pltpu.make_async_copy(
            rslot(b), acc_sh.at[dst_v.at[b]], ssem[b]).wait()


@functools.lru_cache(maxsize=None)
def _agg_colsplit_kernel(DH, K, n_acc):
    rpt = n_acc // NS

    @functools.partial(
        pl.kernel,
        out_type=jax.ShapeDtypeStruct((NC, n_acc, DH), jnp.float32),
        mesh=_mesh(),
        compiler_params=_SC_PARAMS,
        scratch_types=[
            pltpu.VMEM((K, CHUNK), jnp.int32),
            pltpu.VMEM((K, CHUNK), jnp.int32),
            pltpu.VMEM((NBUF * CHUNK, DH), jnp.float32),
            pltpu.VMEM_SHARED((n_acc, DH), jnp.float32),
        ] + [pltpu.SemaphoreType.DMA] * (2 * NBUF),
    )
    def agg(g_hbm, src_hbm, dst_hbm, zeros_hbm, out_hbm,
            src_v, dst_v, rows_v, acc_sh, *sems):
        c = lax.axis_index("c")
        s = lax.axis_index("s")
        row0 = s * rpt
        pltpu.sync_copy(zeros_hbm, acc_sh.at[pl.ds(row0, rpt)])
        pltpu.sync_copy(src_hbm.at[s], src_v)
        pltpu.sync_copy(dst_hbm.at[s], dst_v)
        plsc.subcore_barrier()
        _edge_pipeline(lambda idx: g_hbm.at[c].at[idx],
                       src_v, dst_v, acc_sh, rows_v, sems, K)
        plsc.subcore_barrier()
        pltpu.sync_copy(acc_sh.at[pl.ds(row0, rpt)],
                        out_hbm.at[c, pl.ds(row0, rpt)])

    return agg


@functools.lru_cache(maxsize=None)
def _agg_edgesplit_kernel(D, K, n_acc):
    rpt = n_acc // NS

    @functools.partial(
        pl.kernel,
        out_type=jax.ShapeDtypeStruct((NC, n_acc, D), jnp.float32),
        mesh=_mesh(),
        compiler_params=_SC_PARAMS,
        scratch_types=[
            pltpu.VMEM((K, CHUNK), jnp.int32),
            pltpu.VMEM((K, CHUNK), jnp.int32),
            pltpu.VMEM((NBUF * CHUNK, D), jnp.float32),
            pltpu.VMEM_SHARED((n_acc, D), jnp.float32),
        ] + [pltpu.SemaphoreType.DMA] * (2 * NBUF),
    )
    def agg(g_hbm, src_hbm, dst_hbm, zeros_hbm, out_hbm,
            src_v, dst_v, rows_v, acc_sh, *sems):
        c = lax.axis_index("c")
        s = lax.axis_index("s")
        wid = c * NS + s
        row0 = s * rpt
        pltpu.sync_copy(zeros_hbm, acc_sh.at[pl.ds(row0, rpt)])
        pltpu.sync_copy(src_hbm.at[wid], src_v)
        pltpu.sync_copy(dst_hbm.at[wid], dst_v)
        plsc.subcore_barrier()
        _edge_pipeline(lambda idx: g_hbm.at[idx],
                       src_v, dst_v, acc_sh, rows_v, sems, K)
        plsc.subcore_barrier()
        pltpu.sync_copy(acc_sh.at[pl.ds(row0, rpt)],
                        out_hbm.at[c, pl.ds(row0, rpt)])

    return agg


@functools.lru_cache(maxsize=None)
def _deg_kernel(K, n_acc):
    rpt = n_acc // NS

    @functools.partial(
        pl.kernel,
        out_type=jax.ShapeDtypeStruct((NC, n_acc, DEG_W), jnp.float32),
        mesh=_mesh(),
        compiler_params=_SC_PARAMS,
        scratch_types=[
            pltpu.VMEM((K, CHUNK), jnp.int32),
            pltpu.VMEM((CHUNK, DEG_W), jnp.float32),
            pltpu.VMEM_SHARED((n_acc, DEG_W), jnp.float32),
        ],
    )
    def deg(dst_hbm, ones_hbm, zeros_hbm, out_hbm, dst_v, ones_v, acc_sh):
        c = lax.axis_index("c")
        s = lax.axis_index("s")
        wid = c * NS + s
        row0 = s * rpt
        pltpu.sync_copy(zeros_hbm, acc_sh.at[pl.ds(row0, rpt)])
        pltpu.sync_copy(ones_hbm, ones_v)
        pltpu.sync_copy(dst_hbm.at[wid], dst_v)
        plsc.subcore_barrier()

        def body(j, carry):
            pltpu.sync_copy(ones_v, acc_sh.at[dst_v.at[j]], add=True)
            return carry

        lax.fori_loop(0, K, body, 0)
        plsc.subcore_barrier()
        pltpu.sync_copy(acc_sh.at[pl.ds(row0, rpt)],
                        out_hbm.at[c, pl.ds(row0, rpt)])

    return deg



def _dinv(d0_ref, d1_ref):
    return lax.rsqrt(d0_ref[:, :1] + d1_ref[:, :1] + 1.0)


def _mm_body(x_ref, w_ref, o_ref):
    o_ref[...] = jnp.dot(x_ref[...], w_ref[...],
                         preferred_element_type=jnp.float32)


def _scale_body(h_ref, d0_ref, d1_ref, o_ref):
    o_ref[...] = h_ref[...] * _dinv(d0_ref, d1_ref)


def _comb_body(plo_ref, phi_ref, g_ref, d0_ref, d1_ref, b_ref,
               w_ref, o_ref):
    dinv = _dinv(d0_ref, d1_ref)
    agg = jnp.concatenate([plo_ref[0], phi_ref[0]], axis=1) + g_ref[...]
    h = jnp.maximum(dinv * agg + b_ref[...], 0.0)
    o_ref[...] = jnp.dot(h, w_ref[...],
                         preferred_element_type=jnp.float32) * dinv


def _final_body(q0_ref, q1_ref, g_ref, d0_ref, d1_ref, b_ref, wl_ref, bl_ref,
                o_ref):
    dinv = _dinv(d0_ref, d1_ref)
    h = jnp.maximum(
        dinv * (q0_ref[...] + q1_ref[...] + g_ref[...]) + b_ref[...], 0.0)
    lg = jnp.sum(h * wl_ref[...], axis=1, keepdims=True) + bl_ref[0, 0]
    o_ref[...] = jnp.concatenate([-lg, lg], axis=1)


def _row_block(n):
    return 1000 if n % 1000 == 0 else n


def _tc_call(body, n, out_d, ins):
    bm = _row_block(n)

    def _full_spec(shape):
        nd = len(shape)
        return pl.BlockSpec(shape, lambda i, _nd=nd: (0,) * _nd)

    def _row_spec(shape):
        nd = len(shape)
        return pl.BlockSpec((bm,) + shape[1:],
                            lambda i, _nd=nd: (i,) + (0,) * (_nd - 1))

    specs = [(_row_spec(a.shape) if a.shape[0] == n else _full_spec(a.shape))
             for a in ins]
    return pl.pallas_call(
        body,
        grid=(n // bm,),
        in_specs=specs,
        out_specs=pl.BlockSpec((bm, out_d), lambda i: (i, 0)),
        out_shape=jax.ShapeDtypeStruct((n, out_d), jnp.float32),
    )(*ins)


def _comb(plo, phi, g1, d0, d1, b1r, W2, n, d2_dim):
    bm = _row_block(n)
    dh = plo.shape[2]
    return pl.pallas_call(
        _comb_body,
        grid=(n // bm,),
        in_specs=[
            pl.BlockSpec((1, bm, dh), lambda i: (0, i, 0)),
            pl.BlockSpec((1, bm, dh), lambda i: (0, i, 0)),
            pl.BlockSpec((bm, g1.shape[1]), lambda i: (i, 0)),
            pl.BlockSpec((bm, DEG_W), lambda i: (i, 0)),
            pl.BlockSpec((bm, DEG_W), lambda i: (i, 0)),
            pl.BlockSpec(b1r.shape, lambda i: (0, 0)),
            pl.BlockSpec(W2.shape, lambda i: (0, 0)),
        ],
        out_specs=pl.BlockSpec((bm, d2_dim), lambda i: (i, 0)),
        out_shape=jax.ShapeDtypeStruct((n, d2_dim), jnp.float32),
    )(plo, phi, g1, d0, d1, b1r, W2)


def kernel(x, edge_index, W1, b1, W2, b2, Wl, bl):
    N = x.shape[0]
    E = edge_index.shape[1]
    d1_dim = W1.shape[1]
    d2_dim = W2.shape[1]
    dh = d1_dim // NC

    def pad_edges(parts):
        ept = parts * CHUNK
        k = -(-(-(-E // ept)) // NBUF) * NBUF
        epad = k * ept
        src = edge_index[0]
        dst = edge_index[1]
        if epad != E:
            src = jnp.concatenate(
                [src, jnp.zeros((epad - E,), edge_index.dtype)])
            dst = jnp.concatenate(
                [dst, jnp.full((epad - E,), N, edge_index.dtype)])
        return src.reshape(parts, k, CHUNK), dst.reshape(parts, k, CHUNK), k

    src1, dst1, K1 = pad_edges(NS)
    src2, dst2, K2 = pad_edges(NW)
    n_acc = -(-(N + 1) // (NS * CHUNK)) * (NS * CHUNK)
    rpt = n_acc // NS
    zeros_deg = jnp.zeros((rpt, DEG_W), jnp.float32)
    ones_deg = jnp.ones((CHUNK, DEG_W), jnp.float32)
    zeros_h = jnp.zeros((rpt, dh), jnp.float32)
    zeros_2 = jnp.zeros((rpt, d2_dim), jnp.float32)

    degp = _deg_kernel(K2, n_acc)(dst2, ones_deg, zeros_deg)
    d0 = degp[0, :N]
    d1 = degp[1, :N]

    h1 = _tc_call(_mm_body, N, d1_dim, [x, W1])
    g1 = _tc_call(_scale_body, N, d1_dim, [h1, d0, d1])

    g3 = jnp.stack([g1[:, :dh], g1[:, dh:]], axis=0)
    p = _agg_colsplit_kernel(dh, K1, n_acc)(g3, src1, dst1, zeros_h)
    g2 = _comb(p[:, :N][0:1], p[:, :N][1:2], g1,
               d0, d1, b1.reshape(1, -1), W2, N, d2_dim)

    q = _agg_edgesplit_kernel(d2_dim, K2, n_acc)(g2, src2, dst2, zeros_2)
    out = _tc_call(_final_body, N, 2,
                   [q[0, :N], q[1, :N], g2, d0, d1,
                    b2.reshape(1, -1), Wl.reshape(1, -1),
                    bl.reshape(1, 1)])
    return out

# --- scband reference (transcript-rebuilt; emitter-appended) ---
"""Pipeline reference for scband-diff-gnn-8383776162491 (READ-ONLY COPY).

The authoritative reference and input builder live on the scoring server;
editing this copy changes nothing except your own understanding.
"""

import jax, jax.numpy as jnp
import numpy as np

N = 10000
E = 320000
D_IN = 128
HID = 128


def setup_inputs(seed: int = 0) -> dict:
    key = jax.random.key(seed)
    ks = jax.random.split(key, 8)
    x = jax.random.normal(ks[0], (N, D_IN), dtype=jnp.float32)
    edge_index = jax.random.randint(ks[1], (2, E), 0, N, dtype=jnp.int32)
    # GCNConv layer 1: in=128 -> out=128 (hidden_dim)
    W1 = jax.random.normal(ks[2], (D_IN, HID), dtype=jnp.float32) * (1.0 / np.sqrt(D_IN))
    b1 = jnp.zeros((HID,), dtype=jnp.float32)
    # GCNConv layer 2: in=128 -> out=64 (hidden_dim // 2)
    W2 = jax.random.normal(ks[3], (HID, HID // 2), dtype=jnp.float32) * (1.0 / np.sqrt(HID))
    b2 = jnp.zeros((HID // 2,), dtype=jnp.float32)
    # Final linear head: 64 -> 1
    Wl = jax.random.normal(ks[4], (HID // 2, 1), dtype=jnp.float32) * (1.0 / np.sqrt(HID // 2))
    bl = jnp.zeros((1,), dtype=jnp.float32)
    return {"x": x, "edge_index": edge_index, "W1": W1, "b1": b1, "W2": W2, "b2": b2, "Wl": Wl, "bl": bl}


def _gcn_conv(x, edge_index, W, b):
    # GCNConv with added self-loops and symmetric normalization:
    # out = D^{-1/2} (A + I) D^{-1/2} (x W) + b
    n = x.shape[0]
    h = x @ W
    src = edge_index[0]
    dst = edge_index[1]
    loop = jnp.arange(n, dtype=src.dtype)
    src = jnp.concatenate([src, loop], axis=0)
    dst = jnp.concatenate([dst, loop], axis=0)
    deg = jax.ops.segment_sum(jnp.ones_like(dst, dtype=h.dtype), dst, num_segments=n)
    dinv = jnp.where(deg > 0, jax.lax.rsqrt(jnp.maximum(deg, 1e-12)), 0.0)
    norm = dinv[src] * dinv[dst]
    msg = h[src] * norm[:, None]
    out = jax.ops.segment_sum(msg, dst, num_segments=n)
    return out + b


def reference(x, edge_index, W1, b1, W2, b2, Wl, bl):
    h = jax.nn.relu(_gcn_conv(x, edge_index, W1, b1))
    h = jax.nn.relu(_gcn_conv(h, edge_index, W2, b2))
    logits = (h @ Wl + bl)[:, 0]
    logits2 = jnp.stack([-logits, logits], axis=1)
    return logits2

if __name__ == "__main__":
    import jax
    _d = setup_inputs()
    print(jax.jit(kernel)(*tuple(_d.values())))

</pallas_src>

<mosaic_0001>
#map = affine_map<(d0, d1) -> (0, 0)>
#map1 = affine_map<(d0, d1) -> (0, 0, 0)>
module attributes {stable_mosaic.version = 14 : i64} {
  func.func @agg(%arg0: i32, %arg1: i32, %arg2: memref<10000x64xf32, #tpu.memory_space<hbm>>, %arg3: memref<32x80x128xi32, #tpu.memory_space<hbm>>, %arg4: memref<32x80x128xi32, #tpu.memory_space<hbm>>, %arg5: memref<640x64xf32, #tpu.memory_space<hbm>>, %arg6: memref<2x10240x64xf32, #tpu.memory_space<hbm>>, %arg7: memref<80x128xi32, #tpu.memory_space<vmem>>, %arg8: memref<80x128xi32, #tpu.memory_space<vmem>>, %arg9: memref<512x64xf32, #tpu.memory_space<vmem>>, %arg10: memref<10240x64xf32, #tpu.memory_space<vmem_shared>>, %arg11: memref<!tpu.dma_semaphore, #tpu.memory_space<semaphore_mem>>, %arg12: memref<!tpu.dma_semaphore, #tpu.memory_space<semaphore_mem>>, %arg13: memref<!tpu.dma_semaphore, #tpu.memory_space<semaphore_mem>>, %arg14: memref<!tpu.dma_semaphore, #tpu.memory_space<semaphore_mem>>, %arg15: memref<!tpu.dma_semaphore, #tpu.memory_space<semaphore_mem>>, %arg16: memref<!tpu.dma_semaphore, #tpu.memory_space<semaphore_mem>>, %arg17: memref<!tpu.dma_semaphore, #tpu.memory_space<semaphore_mem>>, %arg18: memref<!tpu.dma_semaphore, #tpu.memory_space<semaphore_mem>>) attributes {dimension_semantics = [#tpu.dimension_semantics<core_parallel>, #tpu.dimension_semantics<subcore_parallel>], iteration_bounds = array<i64: 2, 16>, scalar_prefetch = 0 : i64, scratch_operands = 12 : i64, tpu.core_type = #tpu.core_type<sc_vector_subcore>, window_params = [{transform_indices = #map}, {transform_indices = #map1}, {transform_indices = #map1}, {transform_indices = #map}, {transform_indices = #map1}]} {
    %mul3A = arith.constant 16 : i32
    %mul3A_0 = arith.muli %arg0, %mul3A : i32
    %add3A = arith.addi %mul3A_0, %arg1 : i32
    %mul3A_1 = arith.constant 640 : i32
    %mul3A_2 = arith.muli %arg1, %mul3A_1 : i32
    "tpu.region"() ({
      %run_scoped3A = tpu.sem_alloc : memref<!tpu.dma_semaphore, #tpu.memory_space<semaphore_mem>>
      %dma_start3A_87 = arith.constant 0 : i32
      %dma_start3A_88 = tpu.memref_slice %arg10[%mul3A_2, %dma_start3A_87] : memref<10240x64xf32, #tpu.memory_space<vmem_shared>> -> memref<640x64xf32, #tpu.memory_space<vmem_shared>>
      tpu.enqueue_dma source(%arg5 : memref<640x64xf32, #tpu.memory_space<hbm>>) target(%dma_start3A_88 : memref<640x64xf32, #tpu.memory_space<vmem_shared>>) target_semaphore(%run_scoped3A : memref<!tpu.dma_semaphore, #tpu.memory_space<semaphore_mem>>)
      %dma_wait3A_89 = arith.constant 0 : i32
      %dma_wait3A_90 = tpu.memref_slice %arg10[%mul3A_2, %dma_wait3A_89] : memref<10240x64xf32, #tpu.memory_space<vmem_shared>> -> memref<640x64xf32, #tpu.memory_space<vmem_shared>>
      tpu.wait_dma2 semaphore(%run_scoped3A : memref<!tpu.dma_semaphore, #tpu.memory_space<semaphore_mem>>) src(%arg5 : memref<640x64xf32, #tpu.memory_space<hbm>>) dst(%dma_wait3A_90 : memref<640x64xf32, #tpu.memory_space<vmem_shared>>)
      tpu.yield
    }) : () -> ()
    "tpu.region"() ({
      %run_scoped3A = tpu.sem_alloc : memref<!tpu.dma_semaphore, #tpu.memory_space<semaphore_mem>>
      %dma_start3A_87 = arith.constant 0 : i32
      %dma_start3A_88 = arith.constant 0 : i32
      %dma_start3A_89 = tpu.memref_slice %arg3[%add3A, %dma_start3A_87, %dma_start3A_88] : memref<32x80x128xi32, #tpu.memory_space<hbm>> -> memref<1x80x128xi32, #tpu.memory_space<hbm>>
      %dma_start3A_90 = tpu.memref_squeeze %dma_start3A_89 : memref<1x80x128xi32, #tpu.memory_space<hbm>> -> memref<80x128xi32, #tpu.memory_space<hbm>>
      %dma_start3A_91 = arith.constant 0 : i32
      %dma_start3A_92 = arith.constant 0 : i32
      %dma_start3A_93 = tpu.memref_slice %arg3[%add3A, %dma_start3A_91, %dma_start3A_92] : memref<32x80x128xi32, #tpu.memory_space<hbm>> -> memref<1x80x128xi32, #tpu.memory_space<hbm>>
      %dma_start3A_94 = tpu.memref_squeeze %dma_start3A_93 : memref<1x80x128xi32, #tpu.memory_space<hbm>> -> memref<80x128xi32, #tpu.memory_space<hbm>>
      tpu.enqueue_dma source(%dma_start3A_94 : memref<80x128xi32, #tpu.memory_space<hbm>>) target(%arg7 : memref<80x128xi32, #tpu.memory_space<vmem>>) target_semaphore(%run_scoped3A : memref<!tpu.dma_semaphore, #tpu.memory_space<semaphore_mem>>)
      %dma_wait3A_95 = arith.constant 0 : i32
      %dma_wait3A_96 = arith.constant 0 : i32
      %dma_wait3A_97 = tpu.memref_slice %arg3[%add3A, %dma_wait3A_95, %dma_wait3A_96] : memref<32x80x128xi32, #tpu.memory_space<hbm>> -> memref<1x80x128xi32, #tpu.memory_space<hbm>>
      %dma_wait3A_98 = tpu.memref_squeeze %dma_wait3A_97 : memref<1x80x128xi32, #tpu.memory_space<hbm>> -> memref<80x128xi32, #tpu.memory_space<hbm>>
      %dma_wait3A_99 = arith.constant 0 : i32
      %dma_wait3A_100 = arith.constant 0 : i32
      %dma_wait3A_101 = tpu.memref_slice %arg3[%add3A, %dma_wait3A_99, %dma_wait3A_100] : memref<32x80x128xi32, #tpu.memory_space<hbm>> -> memref<1x80x128xi32, #tpu.memory_space<hbm>>
      %dma_wait3A_102 = tpu.memref_squeeze %dma_wait3A_101 : memref<1x80x128xi32, #tpu.memory_space<hbm>> -> memref<80x128xi32, #tpu.memory_space<hbm>>
      tpu.wait_dma2 semaphore(%run_scoped3A : memref<!tpu.dma_semaphore, #tpu.memory_space<semaphore_mem>>) src(%dma_wait3A_102 : memref<80x128xi32, #tpu.memory_space<hbm>>) dst(%arg7 : memref<80x128xi32, #tpu.memory_space<vmem>>)
      tpu.yield
    }) : () -> ()
    "tpu.region"() ({
      %run_scoped3A = tpu.sem_alloc : memref<!tpu.dma_semaphore, #tpu.memory_space<semaphore_mem>>
      %dma_start3A_87 = arith.constant 0 : i32
      %dma_start3A_88 = arith.constant 0 : i32
      %dma_start3A_89 = tpu.memref_slice %arg4[%add3A, %dma_start3A_87, %dma_start3A_88] : memref<32x80x128xi32, #tpu.memory_space<hbm>> -> memref<1x80x128xi32, #tpu.memory_space<hbm>>
      %dma_start3A_90 = tpu.memref_squeeze %dma_start3A_89 : memref<1x80x128xi32, #tpu.memory_space<hbm>> -> memref<80x128xi32, #tpu.memory_space<hbm>>
      %dma_start3A_91 = arith.constant 0 : i32
      %dma_start3A_92 = arith.constant 0 : i32
      %dma_start3A_93 = tpu.memref_slice %arg4[%add3A, %dma_start3A_91, %dma_start3A_92] : memref<32x80x128xi32, #tpu.memory_space<hbm>> -> memref<1x80x128xi32, #tpu.memory_space<hbm>>
      %dma_start3A_94 = tpu.memref_squeeze %dma_start3A_93 : memref<1x80x128xi32, #tpu.memory_space<hbm>> -> memref<80x128xi32, #tpu.memory_space<hbm>>
      tpu.enqueue_dma source(%dma_start3A_94 : memref<80x128xi32, #tpu.memory_space<hbm>>) target(%arg8 : memref<80x128xi32, #tpu.memory_space<vmem>>) target_semaphore(%run_scoped3A : memref<!tpu.dma_semaphore, #tpu.memory_space<semaphore_mem>>)
      %dma_wait3A_95 = arith.constant 0 : i32
      %dma_wait3A_96 = arith.constant 0 : i32
      %dma_wait3A_97 = tpu.memref_slice %arg4[%add3A, %dma_wait3A_95, %dma_wait3A_96] : memref<32x80x128xi32, #tpu.memory_space<hbm>> -> memref<1x80x128xi32, #tpu.memory_space<hbm>>
      %dma_wait3A_98 = tpu.memref_squeeze %dma_wait3A_97 : memref<1x80x128xi32, #tpu.memory_space<hbm>> -> memref<80x128xi32, #tpu.memory_space<hbm>>
      %dma_wait3A_99 = arith.constant 0 : i32
      %dma_wait3A_100 = arith.constant 0 : i32
      %dma_wait3A_101 = tpu.memref_slice %arg4[%add3A, %dma_wait3A_99, %dma_wait3A_100] : memref<32x80x128xi32, #tpu.memory_space<hbm>> -> memref<1x80x128xi32, #tpu.memory_space<hbm>>
      %dma_wait3A_102 = tpu.memref_squeeze %dma_wait3A_101 : memref<1x80x128xi32, #tpu.memory_space<hbm>> -> memref<80x128xi32, #tpu.memory_space<hbm>>
      tpu.wait_dma2 semaphore(%run_scoped3A : memref<!tpu.dma_semaphore, #tpu.memory_space<semaphore_mem>>) src(%dma_wait3A_102 : memref<80x128xi32, #tpu.memory_space<hbm>>) dst(%arg8 : memref<80x128xi32, #tpu.memory_space<vmem>>)
      tpu.yield
    }) : () -> ()
    %barrier3A = arith.constant 0 : index
    tpu.barrier barrier_id(%barrier3A)
    %dma_start3A = arith.constant 0 : i32
    %dma_start3A_3 = arith.constant 0 : i32
    %dma_start3A_4 = arith.constant 0 : i32
    %dma_start3A_5 = tpu.memref_slice %arg9[%dma_start3A_3, %dma_start3A_4] : memref<512x64xf32, #tpu.memory_space<vmem>> -> memref<128x64xf32, #tpu.memory_space<vmem>>
    %dma_start3A_6 = arith.constant 0 : i32
    %dma_start3A_7 = tpu.memref_slice %arg7[%dma_start3A, %dma_start3A_6] : memref<80x128xi32, #tpu.memory_space<vmem>> -> memref<1x128xi32, #tpu.memory_space<vmem>>
    %dma_start3A_8 = tpu.memref_squeeze %dma_start3A_7 : memref<1x128xi32, #tpu.memory_space<vmem>> -> memref<128xi32, #tpu.memory_space<vmem>>
    %dma_start3A_9 = arith.constant 0 : i32
    %dma_start3A_10 = arith.constant 0 : i32
    %dma_start3A_11 = tpu.memref_slice %arg2[%dma_start3A_9, %dma_start3A_10] : memref<10000x64xf32, #tpu.memory_space<hbm>> -> memref<10000x64xf32, #tpu.memory_space<hbm>>
    tpu.enqueue_indirect_dma source(%dma_start3A_11 : memref<10000x64xf32, #tpu.memory_space<hbm>>) target(%dma_start3A_5 : memref<128x64xf32, #tpu.memory_space<vmem>>) offsets(%dma_start3A_8 : memref<128xi32, #tpu.memory_space<vmem>>) semaphore(%arg11 : memref<!tpu.dma_semaphore, #tpu.memory_space<semaphore_mem>>)
    %dma_start3A_12 = arith.constant 1 : i32
    %dma_start3A_13 = arith.constant 128 : i32
    %dma_start3A_14 = arith.constant 0 : i32
    %dma_start3A_15 = tpu.memref_slice %arg9[%dma_start3A_13, %dma_start3A_14] : memref<512x64xf32, #tpu.memory_space<vmem>> -> memref<128x64xf32, #tpu.memory_space<vmem>>
    %dma_start3A_16 = arith.constant 0 : i32
    %dma_start3A_17 = tpu.memref_slice %arg7[%dma_start3A_12, %dma_start3A_16] : memref<80x128xi32, #tpu.memory_space<vmem>> -> memref<1x128xi32, #tpu.memory_space<vmem>>
    %dma_start3A_18 = tpu.memref_squeeze %dma_start3A_17 : memref<1x128xi32, #tpu.memory_space<vmem>> -> memref<128xi32, #tpu.memory_space<vmem>>
    %dma_start3A_19 = arith.constant 0 : i32
    %dma_start3A_20 = arith.constant 0 : i32
    %dma_start3A_21 = tpu.memref_slice %arg2[%dma_start3A_19, %dma_start3A_20] : memref<10000x64xf32, #tpu.memory_space<hbm>> -> memref<10000x64xf32, #tpu.memory_space<hbm>>
    tpu.enqueue_indirect_dma source(%dma_start3A_21 : memref<10000x64xf32, #tpu.memory_space<hbm>>) target(%dma_start3A_15 : memref<128x64xf32, #tpu.memory_space<vmem>>) offsets(%dma_start3A_18 : memref<128xi32, #tpu.memory_space<vmem>>) semaphore(%arg12 : memref<!tpu.dma_semaphore, #tpu.memory_space<semaphore_mem>>)
    %dma_start3A_22 = arith.constant 2 : i32
    %dma_start3A_23 = arith.constant 256 : i32
    %dma_start3A_24 = arith.constant 0 : i32
    %dma_start3A_25 = tpu.memref_slice %arg9[%dma_start3A_23, %dma_start3A_24] : memref<512x64xf32, #tpu.memory_space<vmem>> -> memref<128x64xf32, #tpu.memory_space<vmem>>
    %dma_start3A_26 = arith.constant 0 : i32
    %dma_start3A_27 = tpu.memref_slice %arg7[%dma_start3A_22, %dma_start3A_26] : memref<80x128xi32, #tpu.memory_space<vmem>> -> memref<1x128xi32, #tpu.memory_space<vmem>>
    %dma_start3A_28 = tpu.memref_squeeze %dma_start3A_27 : memref<1x128xi32, #tpu.memory_space<vmem>> -> memref<128xi32, #tpu.memory_space<vmem>>
    %dma_start3A_29 = arith.constant 0 : i32
    %dma_start3A_30 = arith.constant 0 : i32
    %dma_start3A_31 = tpu.memref_slice %arg2[%dma_start3A_29, %dma_start3A_30] : memref<10000x64xf32, #tpu.memory_space<hbm>> -> memref<10000x64xf32, #tpu.memory_space<hbm>>
    tpu.enqueue_indirect_dma source(%dma_start3A_31 : memref<10000x64xf32, #tpu.memory_space<hbm>>) target(%dma_start3A_25 : memref<128x64xf32, #tpu.memory_space<vmem>>) offsets(%dma_start3A_28 : memref<128xi32, #tpu.memory_space<vmem>>) semaphore(%arg13 : memref<!tpu.dma_semaphore, #tpu.memory_space<semaphore_mem>>)
    %dma_start3A_32 = arith.constant 3 : i32
    %dma_start3A_33 = arith.constant 384 : i32
    %dma_start3A_34 = arith.constant 0 : i32
    %dma_start3A_35 = tpu.memref_slice %arg9[%dma_start3A_33, %dma_start3A_34] : memref<512x64xf32, #tpu.memory_space<vmem>> -> memref<128x64xf32, #tpu.memory_space<vmem>>
    %dma_start3A_36 = arith.constant 0 : i32
    %dma_start3A_37 = tpu.memref_slice %arg7[%dma_start3A_32, %dma_start3A_36] : memref<80x128xi32, #tpu.memory_space<vmem>> -> memref<1x128xi32, #tpu.memory_space<vmem>>
    %dma_start3A_38 = tpu.memref_squeeze %dma_start3A_37 : memref<1x128xi32, #tpu.memory_space<vmem>> -> memref<128xi32, #tpu.memory_space<vmem>>
    %dma_start3A_39 = arith.constant 0 : i32
    %dma_start3A_40 = arith.constant 0 : i32
    %dma_start3A_41 = tpu.memref_slice %arg2[%dma_start3A_39, %dma_start3A_40] : memref<10000x64xf32, #tpu.memory_space<hbm>> -> memref<10000x64xf32, #tpu.memory_space<hbm>>
    tpu.enqueue_indirect_dma source(%dma_start3A_41 : memref<10000x64xf32, #tpu.memory_space<hbm>>) target(%dma_start3A_35 : memref<128x64xf32, #tpu.memory_space<vmem>>) offsets(%dma_start3A_38 : memref<128xi32, #tpu.memory_space<vmem>>) semaphore(%arg14 : memref<!tpu.dma_semaphore, #tpu.memory_space<semaphore_mem>>)
    %scan3A = arith.constant 0 : i32
    %scan3A_42 = arith.constant 0 : i32
    %scan3A_43 = arith.constant 20 : i32
    %scan3A_44 = arith.addi %scan3A_42, %scan3A_43 : i32
    %scan3A_45 = arith.constant 1 : i32
    scf.for %scan3A_87 = %scan3A_42 to %scan3A_44 step %scan3A_45  : i32 {
      %mul3A_88 = arith.constant 4 : i32
      %mul3A_89 = arith.muli %scan3A_87, %mul3A_88 : i32
      %add3A_90 = arith.constant 0 : i32
      %add3A_91 = arith.addi %mul3A_89, %add3A_90 : i32
      %dma_wait3A_92 = arith.constant 0 : i32
      %dma_wait3A_93 = arith.constant 0 : i32
      %dma_wait3A_94 = tpu.memref_slice %arg9[%dma_wait3A_92, %dma_wait3A_93] : memref<512x64xf32, #tpu.memory_space<vmem>> -> memref<128x64xf32, #tpu.memory_space<vmem>>
      %dma_wait3A_95 = arith.constant 0 : i32
      %dma_wait3A_96 = tpu.memref_slice %arg7[%add3A_91, %dma_wait3A_95] : memref<80x128xi32, #tpu.memory_space<vmem>> -> memref<1x128xi32, #tpu.memory_space<vmem>>
      %dma_wait3A_97 = tpu.memref_squeeze %dma_wait3A_96 : memref<1x128xi32, #tpu.memory_space<vmem>> -> memref<128xi32, #tpu.memory_space<vmem>>
      %dma_wait3A_98 = arith.constant 0 : i32
      %dma_wait3A_99 = arith.constant 0 : i32
      %dma_wait3A_100 = tpu.memref_slice %arg2[%dma_wait3A_98, %dma_wait3A_99] : memref<10000x64xf32, #tpu.memory_space<hbm>> -> memref<10000x64xf32, #tpu.memory_space<hbm>>
      tpu.wait_indirect_dma semaphore(%arg11 : memref<!tpu.dma_semaphore, #tpu.memory_space<semaphore_mem>>) src(%dma_wait3A_100 : memref<10000x64xf32, #tpu.memory_space<hbm>>) dst(%dma_wait3A_94 : memref<128x64xf32, #tpu.memory_space<vmem>>)
      %add3A_101 = arith.constant 0 : i32
      %add3A_102 = arith.addi %mul3A_89, %add3A_101 : i32
      %dma_start3A_103 = arith.constant 0 : i32
      %dma_start3A_104 = arith.constant 0 : i32
      %dma_start3A_105 = tpu.memref_slice %arg9[%dma_start3A_103, %dma_start3A_104] : memref<512x64xf32, #tpu.memory_space<vmem>> -> memref<128x64xf32, #tpu.memory_space<vmem>>
      %dma_start3A_106 = arith.constant 0 : i32
      %dma_start3A_107 = tpu.memref_slice %arg8[%add3A_102, %dma_start3A_106] : memref<80x128xi32, #tpu.memory_space<vmem>> -> memref<1x128xi32, #tpu.memory_space<vmem>>
      %dma_start3A_108 = tpu.memref_squeeze %dma_start3A_107 : memref<1x128xi32, #tpu.memory_space<vmem>> -> memref<128xi32, #tpu.memory_space<vmem>>
      %dma_start3A_109 = arith.constant 0 : i32
      %dma_start3A_110 = arith.constant 0 : i32
      %dma_start3A_111 = tpu.memref_slice %arg10[%dma_start3A_109, %dma_start3A_110] : memref<10240x64xf32, #tpu.memory_space<vmem_shared>> -> memref<10240x64xf32, #tpu.memory_space<vmem_shared>>
      tpu.enqueue_indirect_dma source(%dma_start3A_105 : memref<128x64xf32, #tpu.memory_space<vmem>>) target(%dma_start3A_111 : memref<10240x64xf32, #tpu.memory_space<vmem_shared>>) offsets(%dma_start3A_108 : memref<128xi32, #tpu.memory_space<vmem>>) semaphore(%arg15 : memref<!tpu.dma_semaphore, #tpu.memory_space<semaphore_mem>>) {add = true}
      %add3A_112 = arith.constant 1 : i32
      %add3A_113 = arith.addi %mul3A_89, %add3A_112 : i32
      %dma_wait3A_114 = arith.constant 128 : i32
      %dma_wait3A_115 = arith.constant 0 : i32
      %dma_wait3A_116 = tpu.memref_slice %arg9[%dma_wait3A_114, %dma_wait3A_115] : memref<512x64xf32, #tpu.memory_space<vmem>> -> memref<128x64xf32, #tpu.memory_space<vmem>>
      %dma_wait3A_117 = arith.constant 0 : i32
      %dma_wait3A_118 = tpu.memref_slice %arg7[%add3A_113, %dma_wait3A_117] : memref<80x128xi32, #tpu.memory_space<vmem>> -> memref<1x128xi32, #tpu.memory_space<vmem>>
      %dma_wait3A_119 = tpu.memref_squeeze %dma_wait3A_118 : memref<1x128xi32, #tpu.memory_space<vmem>> -> memref<128xi32, #tpu.memory_space<vmem>>
      %dma_wait3A_120 = arith.constant 0 : i32
      %dma_wait3A_121 = arith.constant 0 : i32
      %dma_wait3A_122 = tpu.memref_slice %arg2[%dma_wait3A_120, %dma_wait3A_121] : memref<10000x64xf32, #tpu.memory_space<hbm>> -> memref<10000x64xf32, #tpu.memory_space<hbm>>
      tpu.wait_indirect_dma semaphore(%arg12 : memref<!tpu.dma_semaphore, #tpu.memory_space<semaphore_mem>>) src(%dma_wait3A_122 : memref<10000x64xf32, #tpu.memory_space<hbm>>) dst(%dma_wait3A_116 : memref<128x64xf32, #tpu.memory_space<vmem>>)
      %add3A_123 = arith.constant 1 : i32
      %add3A_124 = arith.addi %mul3A_89, %add3A_123 : i32
      %dma_start3A_125 = arith.constant 128 : i32
      %dma_start3A_126 = arith.constant 0 : i32
      %dma_start3A_127 = tpu.memref_slice %arg9[%dma_start3A_125, %dma_start3A_126] : memref<512x64xf32, #tpu.memory_space<vmem>> -> memref<128x64xf32, #tpu.memory_space<vmem>>
      %dma_start3A_128 = arith.constant 0 : i32
      %dma_start3A_129 = tpu.memref_slice %arg8[%add3A_124, %dma_start3A_128] : memref<80x128xi32, #tpu.memory_space<vmem>> -> memref<1x128xi32, #tpu.memory_space<vmem>>
      %dma_start3A_130 = tpu.memref_squeeze %dma_start3A_129 : memref<1x128xi32, #tpu.memory_space<vmem>> -> memref<128xi32, #tpu.memory_space<vmem>>
      %dma_start3A_131 = arith.constant 0 : i32
      %dma_start3A_132 = arith.constant 0 : i32
      %dma_start3A_133 = tpu.memref_slice %arg10[%dma_start3A_131, %dma_start3A_132] : memref<10240x64xf32, #tpu.memory_space<vmem_shared>> -> memref<10240x64xf32, #tpu.memory_space<vmem_shared>>
      tpu.enqueue_indirect_dma source(%dma_start3A_127 : memref<128x64xf32, #tpu.memory_space<vmem>>) target(%dma_start3A_133 : memref<10240x64xf32, #tpu.memory_space<vmem_shared>>) offsets(%dma_start3A_130 : memref<128xi32, #tpu.memory_space<vmem>>) semaphore(%arg16 : memref<!tpu.dma_semaphore, #tpu.memory_space<semaphore_mem>>) {add = true}
      %add3A_134 = arith.constant 2 : i32
      %add3A_135 = arith.addi %mul3A_89, %add3A_134 : i32
      %dma_wait3A_136 = arith.constant 256 : i32
      %dma_wait3A_137 = arith.constant 0 : i32
      %dma_wait3A_138 = tpu.memref_slice %arg9[%dma_wait3A_136, %dma_wait3A_137] : memref<512x64xf32, #tpu.memory_space<vmem>> -> memref<128x64xf32, #tpu.memory_space<vmem>>
      %dma_wait3A_139 = arith.constant 0 : i32
      %dma_wait3A_140 = tpu.memref_slice %arg7[%add3A_135, %dma_wait3A_139] : memref<80x128xi32, #tpu.memory_space<vmem>> -> memref<1x128xi32, #tpu.memory_space<vmem>>
      %dma_wait3A_141 = tpu.memref_squeeze %dma_wait3A_140 : memref<1x128xi32, #tpu.memory_space<vmem>> -> memref<128xi32, #tpu.memory_space<vmem>>
      %dma_wait3A_142 = arith.constant 0 : i32
      %dma_wait3A_143 = arith.constant 0 : i32
      %dma_wait3A_144 = tpu.memref_slice %arg2[%dma_wait3A_142, %dma_wait3A_143] : memref<10000x64xf32, #tpu.memory_space<hbm>> -> memref<10000x64xf32, #tpu.memory_space<hbm>>
      tpu.wait_indirect_dma semaphore(%arg13 : memref<!tpu.dma_semaphore, #tpu.memory_space<semaphore_mem>>) src(%dma_wait3A_144 : memref<10000x64xf32, #tpu.memory_space<hbm>>) dst(%dma_wait3A_138 : memref<128x64xf32, #tpu.memory_space<vmem>>)
      %add3A_145 = arith.constant 2 : i32
      %add3A_146 = arith.addi %mul3A_89, %add3A_145 : i32
      %dma_start3A_147 = arith.constant 256 : i32
      %dma_start3A_148 = arith.constant 0 : i32
      %dma_start3A_149 = tpu.memref_slice %arg9[%dma_start3A_147, %dma_start3A_148] : memref<512x64xf32, #tpu.memory_space<vmem>> -> memref<128x64xf32, #tpu.memory_space<vmem>>
      %dma_start3A_150 = arith.constant 0 : i32
      %dma_start3A_151 = tpu.memref_slice %arg8[%add3A_146, %dma_start3A_150] : memref<80x128xi32, #tpu.memory_space<vmem>> -> memref<1x128xi32, #tpu.memory_space<vmem>>
      %dma_start3A_152 = tpu.memref_squeeze %dma_start3A_151 : memref<1x128xi32, #tpu.memory_space<vmem>> -> memref<128xi32, #tpu.memory_space<vmem>>
      %dma_start3A_153 = arith.constant 0 : i32
      %dma_start3A_154 = arith.constant 0 : i32
      %dma_start3A_155 = tpu.memref_slice %arg10[%dma_start3A_153, %dma_start3A_154] : memref<10240x64xf32, #tpu.memory_space<vmem_shared>> -> memref<10240x64xf32, #tpu.memory_space<vmem_shared>>
      tpu.enqueue_indirect_dma source(%dma_start3A_149 : memref<128x64xf32, #tpu.memory_space<vmem>>) target(%dma_start3A_155 : memref<10240x64xf32, #tpu.memory_space<vmem_shared>>) offsets(%dma_start3A_152 : memref<128xi32, #tpu.memory_space<vmem>>) semaphore(%arg17 : memref<!tpu.dma_semaphore, #tpu.memory_space<semaphore_mem>>) {add = true}
      %add3A_156 = arith.constant 3 : i32
      %add3A_157 = arith.addi %mul3A_89, %add3A_156 : i32
      %dma_wait3A_158 = arith.constant 384 : i32
      %dma_wait3A_159 = arith.constant 0 : i32
      %dma_wait3A_160 = tpu.memref_slice %arg9[%dma_wait3A_158, %dma_wait3A_159] : memref<512x64xf32, #tpu.memory_space<vmem>> -> memref<128x64xf32, #tpu.memory_space<vmem>>
      %dma_wait3A_161 = arith.constant 0 : i32
      %dma_wait3A_162 = tpu.memref_slice %arg7[%add3A_157, %dma_wait3A_161] : memref<80x128xi32, #tpu.memory_space<vmem>> -> memref<1x128xi32, #tpu.memory_space<vmem>>
      %dma_wait3A_163 = tpu.memref_squeeze %dma_wait3A_162 : memref<1x128xi32, #tpu.memory_space<vmem>> -> memref<128xi32, #tpu.memory_space<vmem>>
      %dma_wait3A_164 = arith.constant 0 : i32
      %dma_wait3A_165 = arith.constant 0 : i32
      %dma_wait3A_166 = tpu.memref_slice %arg2[%dma_wait3A_164, %dma_wait3A_165] : memref<10000x64xf32, #tpu.memory_space<hbm>> -> memref<10000x64xf32, #tpu.memory_space<hbm>>
      tpu.wait_indirect_dma semaphore(%arg14 : memref<!tpu.dma_semaphore, #tpu.memory_space<semaphore_mem>>) src(%dma_wait3A_166 : memref<10000x64xf32, #tpu.memory_space<hbm>>) dst(%dma_wait3A_160 : memref<128x64xf32, #tpu.memory_space<vmem>>)
      %add3A_167 = arith.constant 3 : i32
      %add3A_168 = arith.addi %mul3A_89, %add3A_167 : i32
      %dma_start3A_169 = arith.constant 384 : i32
      %dma_start3A_170 = arith.constant 0 : i32
      %dma_start3A_171 = tpu.memref_slice %arg9[%dma_start3A_169, %dma_start3A_170] : memref<512x64xf32, #tpu.memory_space<vmem>> -> memref<128x64xf32, #tpu.memory_space<vmem>>
      %dma_start3A_172 = arith.constant 0 : i32
      %dma_start3A_173 = tpu.memref_slice %arg8[%add3A_168, %dma_start3A_172] : memref<80x128xi32, #tpu.memory_space<vmem>> -> memref<1x128xi32, #tpu.memory_space<vmem>>
      %dma_start3A_174 = tpu.memref_squeeze %dma_start3A_173 : memref<1x128xi32, #tpu.memory_space<vmem>> -> memref<128xi32, #tpu.memory_space<vmem>>
      %dma_start3A_175 = arith.constant 0 : i32
      %dma_start3A_176 = arith.constant 0 : i32
      %dma_start3A_177 = tpu.memref_slice %arg10[%dma_start3A_175, %dma_start3A_176] : memref<10240x64xf32, #tpu.memory_space<vmem_shared>> -> memref<10240x64xf32, #tpu.memory_space<vmem_shared>>
      tpu.enqueue_indirect_dma source(%dma_start3A_171 : memref<128x64xf32, #tpu.memory_space<vmem>>) target(%dma_start3A_177 : memref<10240x64xf32, #tpu.memory_space<vmem_shared>>) offsets(%dma_start3A_174 : memref<128xi32, #tpu.memory_space<vmem>>) semaphore(%arg18 : memref<!tpu.dma_semaphore, #tpu.memory_space<semaphore_mem>>) {add = true}
      %add3A_178 = arith.constant 1 : i32
      %add3A_179 = arith.addi %scan3A_87, %add3A_178 : i32
      %lt3A = arith.constant 20 : i32
      %lt3A_180 = arith.cmpi slt, %add3A_179, %lt3A : i32
      %convert_element_type3A = arith.extui %lt3A_180 : i1 to i32
      %cond3A = arith.constant 0 : i32
      %cond3A_181 = arith.cmpi ne, %convert_element_type3A, %cond3A : i32
      scf.if %cond3A_181 {
        %add3A_182 = arith.constant 0 : i32
        %add3A_183 = arith.addi %mul3A_89, %add3A_182 : i32
        %dma_wait3A_184 = arith.constant 0 : i32
        %dma_wait3A_185 = arith.constant 0 : i32
        %dma_wait3A_186 = tpu.memref_slice %arg9[%dma_wait3A_184, %dma_wait3A_185] : memref<512x64xf32, #tpu.memory_space<vmem>> -> memref<128x64xf32, #tpu.memory_space<vmem>>
        %dma_wait3A_187 = arith.constant 0 : i32
        %dma_wait3A_188 = tpu.memref_slice %arg8[%add3A_183, %dma_wait3A_187] : memref<80x128xi32, #tpu.memory_space<vmem>> -> memref<1x128xi32, #tpu.memory_space<vmem>>
        %dma_wait3A_189 = tpu.memref_squeeze %dma_wait3A_188 : memref<1x128xi32, #tpu.memory_space<vmem>> -> memref<128xi32, #tpu.memory_space<vmem>>
        %dma_wait3A_190 = arith.constant 0 : i32
        %dma_wait3A_191 = arith.constant 0 : i32
        %dma_wait3A_192 = tpu.memref_slice %arg10[%dma_wait3A_190, %dma_wait3A_191] : memref<10240x64xf32, #tpu.memory_space<vmem_shared>> -> memref<10240x64xf32, #tpu.memory_space<vmem_shared>>
        tpu.wait_indirect_dma semaphore(%arg15 : memref<!tpu.dma_semaphore, #tpu.memory_space<semaphore_mem>>) src(%dma_wait3A_186 : memref<128x64xf32, #tpu.memory_space<vmem>>) dst(%dma_wait3A_192 : memref<10240x64xf32, #tpu.memory_space<vmem_shared>>)
        %add3A_193 = arith.constant 4 : i32
        %add3A_194 = arith.addi %mul3A_89, %add3A_193 : i32
        %add3A_195 = arith.constant 0 : i32
        %add3A_196 = arith.addi %add3A_194, %add3A_195 : i32
        %dma_start3A_197 = arith.constant 0 : i32
        %dma_start3A_198 = arith.constant 0 : i32
        %dma_start3A_199 = tpu.memref_slice %arg9[%dma_start3A_197, %dma_start3A_198] : memref<512x64xf32, #tpu.memory_space<vmem>> -> memref<128x64xf32, #tpu.memory_space<vmem>>
        %dma_start3A_200 = arith.constant 0 : i32
        %dma_start3A_201 = tpu.memref_slice %arg7[%add3A_196, %dma_start3A_200] : memref<80x128xi32, #tpu.memory_space<vmem>> -> memref<1x128xi32, #tpu.memory_space<vmem>>
        %dma_start3A_202 = tpu.memref_squeeze %dma_start3A_201 : memref<1x128xi32, #tpu.memory_space<vmem>> -> memref<128xi32, #tpu.memory_space<vmem>>
        %dma_start3A_203 = arith.constant 0 : i32
        %dma_start3A_204 = arith.constant 0 : i32
        %dma_start3A_205 = tpu.memref_slice %arg2[%dma_start3A_203, %dma_start3A_204] : memref<10000x64xf32, #tpu.memory_space<hbm>> -> memref<10000x64xf32, #tpu.memory_space<hbm>>
        tpu.enqueue_indirect_dma source(%dma_start3A_205 : memref<10000x64xf32, #tpu.memory_space<hbm>>) target(%dma_start3A_199 : memref<128x64xf32, #tpu.memory_space<vmem>>) offsets(%dma_start3A_202 : memref<128xi32, #tpu.memory_space<vmem>>) semaphore(%arg11 : memref<!tpu.dma_semaphore, #tpu.memory_space<semaphore_mem>>)
        %add3A_206 = arith.constant 1 : i32
        %add3A_207 = arith.addi %mul3A_89, %add3A_206 : i32
        %dma_wait3A_208 = arith.constant 128 : i32
        %dma_wait3A_209 = arith.constant 0 : i32
        %dma_wait3A_210 = tpu.memref_slice %arg9[%dma_wait3A_208, %dma_wait3A_209] : memref<512x64xf32, #tpu.memory_space<vmem>> -> memref<128x64xf32, #tpu.memory_space<vmem>>
        %dma_wait3A_211 = arith.constant 0 : i32
        %dma_wait3A_212 = tpu.memref_slice %arg8[%add3A_207, %dma_wait3A_211] : memref<80x128xi32, #tpu.memory_space<vmem>> -> memref<1x128xi32, #tpu.memory_space<vmem>>
        %dma_wait3A_213 = tpu.memref_squeeze %dma_wait3A_212 : memref<1x128xi32, #tpu.memory_space<vmem>> -> memref<128xi32, #tpu.memory_space<vmem>>
        %dma_wait3A_214 = arith.constant 0 : i32
        %dma_wait3A_215 = arith.constant 0 : i32
        %dma_wait3A_216 = tpu.memref_slice %arg10[%dma_wait3A_214, %dma_wait3A_215] : memref<10240x64xf32, #tpu.memory_space<vmem_shared>> -> memref<10240x64xf32, #tpu.memory_space<vmem_shared>>
        tpu.wait_indirect_dma semaphore(%arg16 : memref<!tpu.dma_semaphore, #tpu.memory_space<semaphore_mem>>) src(%dma_wait3A_210 : memref<128x64xf32, #tpu.memory_space<vmem>>) dst(%dma_wait3A_216 : memref<10240x64xf32, #tpu.memory_space<vmem_shared>>)
        %add3A_217 = arith.constant 4 : i32
        %add3A_218 = arith.addi %mul3A_89, %add3A_217 : i32
        %add3A_219 = arith.constant 1 : i32
        %add3A_220 = arith.addi %add3A_218, %add3A_219 : i32
        %dma_start3A_221 = arith.constant 128 : i32
        %dma_start3A_222 = arith.constant 0 : i32
        %dma_start3A_223 = tpu.memref_slice %arg9[%dma_start3A_221, %dma_start3A_222] : memref<512x64xf32, #tpu.memory_space<vmem>> -> memref<128x64xf32, #tpu.memory_space<vmem>>
        %dma_start3A_224 = arith.constant 0 : i32
        %dma_start3A_225 = tpu.memref_slice %arg7[%add3A_220, %dma_start3A_224] : memref<80x128xi32, #tpu.memory_space<vmem>> -> memref<1x128xi32, #tpu.memory_space<vmem>>
        %dma_start3A_226 = tpu.memref_squeeze %dma_start3A_225 : memref<1x128xi32, #tpu.memory_space<vmem>> -> memref<128xi32, #tpu.memory_space<vmem>>
        %dma_start3A_227 = arith.constant 0 : i32
        %dma_start3A_228 = arith.constant 0 : i32
        %dma_start3A_229 = tpu.memref_slice %arg2[%dma_start3A_227, %dma_start3A_228] : memref<10000x64xf32, #tpu.memory_space<hbm>> -> memref<10000x64xf32, #tpu.memory_space<hbm>>
        tpu.enqueue_indirect_dma source(%dma_start3A_229 : memref<10000x64xf32, #tpu.memory_space<hbm>>) target(%dma_start3A_223 : memref<128x64xf32, #tpu.memory_space<vmem>>) offsets(%dma_start3A_226 : memref<128xi32, #tpu.memory_space<vmem>>) semaphore(%arg12 : memref<!tpu.dma_semaphore, #tpu.memory_space<semaphore_mem>>)
        %add3A_230 = arith.constant 2 : i32
        %add3A_231 = arith.addi %mul3A_89, %add3A_230 : i32
        %dma_wait3A_232 = arith.constant 256 : i32
        %dma_wait3A_233 = arith.constant 0 : i32
        %dma_wait3A_234 = tpu.memref_slice %arg9[%dma_wait3A_232, %dma_wait3A_233] : memref<512x64xf32, #tpu.memory_space<vmem>> -> memref<128x64xf32, #tpu.memory_space<vmem>>
        %dma_wait3A_235 = arith.constant 0 : i32
        %dma_wait3A_236 = tpu.memref_slice %arg8[%add3A_231, %dma_wait3A_235] : memref<80x128xi32, #tpu.memory_space<vmem>> -> memref<1x128xi32, #tpu.memory_space<vmem>>
        %dma_wait3A_237 = tpu.memref_squeeze %dma_wait3A_236 : memref<1x128xi32, #tpu.memory_space<vmem>> -> memref<128xi32, #tpu.memory_space<vmem>>
        %dma_wait3A_238 = arith.constant 0 : i32
        %dma_wait3A_239 = arith.constant 0 : i32
        %dma_wait3A_240 = tpu.memref_slice %arg10[%dma_wait3A_238, %dma_wait3A_239] : memref<10240x64xf32, #tpu.memory_space<vmem_shared>> -> memref<10240x64xf32, #tpu.memory_space<vmem_shared>>
        tpu.wait_indirect_dma semaphore(%arg17 : memref<!tpu.dma_semaphore, #tpu.memory_space<semaphore_mem>>) src(%dma_wait3A_234 : memref<128x64xf32, #tpu.memory_space<vmem>>) dst(%dma_wait3A_240 : memref<10240x64xf32, #tpu.memory_space<vmem_shared>>)
        %add3A_241 = arith.constant 4 : i32
        %add3A_242 = arith.addi %mul3A_89, %add3A_241 : i32
        %add3A_243 = arith.constant 2 : i32
        %add3A_244 = arith.addi %add3A_242, %add3A_243 : i32
        %dma_start3A_245 = arith.constant 256 : i32
        %dma_start3A_246 = arith.constant 0 : i32
        %dma_start3A_247 = tpu.memref_slice %arg9[%dma_start3A_245, %dma_start3A_246] : memref<512x64xf32, #tpu.memory_space<vmem>> -> memref<128x64xf32, #tpu.memory_space<vmem>>
        %dma_start3A_248 = arith.constant 0 : i32
        %dma_start3A_249 = tpu.memref_slice %arg7[%add3A_244, %dma_start3A_248] : memref<80x128xi32, #tpu.memory_space<vmem>> -> memref<1x128xi32, #tpu.memory_space<vmem>>
        %dma_start3A_250 = tpu.memref_squeeze %dma_start3A_249 : memref<1x128xi32, #tpu.memory_space<vmem>> -> memref<128xi32, #tpu.memory_space<vmem>>
        %dma_start3A_251 = arith.constant 0 : i32
        %dma_start3A_252 = arith.constant 0 : i32
        %dma_start3A_253 = tpu.memref_slice %arg2[%dma_start3A_251, %dma_start3A_252] : memref<10000x64xf32, #tpu.memory_space<hbm>> -> memref<10000x64xf32, #tpu.memory_space<hbm>>
        tpu.enqueue_indirect_dma source(%dma_start3A_253 : memref<10000x64xf32, #tpu.memory_space<hbm>>) target(%dma_start3A_247 : memref<128x64xf32, #tpu.memory_space<vmem>>) offsets(%dma_start3A_250 : memref<128xi32, #tpu.memory_space<vmem>>) semaphore(%arg13 : memref<!tpu.dma_semaphore, #tpu.memory_space<semaphore_mem>>)
        %add3A_254 = arith.constant 3 : i32
        %add3A_255 = arith.addi %mul3A_89, %add3A_254 : i32
        %dma_wait3A_256 = arith.constant 384 : i32
        %dma_wait3A_257 = arith.constant 0 : i32
        %dma_wait3A_258 = tpu.memref_slice %arg9[%dma_wait3A_256, %dma_wait3A_257] : memref<512x64xf32, #tpu.memory_space<vmem>> -> memref<128x64xf32, #tpu.memory_space<vmem>>
        %dma_wait3A_259 = arith.constant 0 : i32
        %dma_wait3A_260 = tpu.memref_slice %arg8[%add3A_255, %dma_wait3A_259] : memref<80x128xi32, #tpu.memory_space<vmem>> -> memref<1x128xi32, #tpu.memory_space<vmem>>
        %dma_wait3A_261 = tpu.memref_squeeze %dma_wait3A_260 : memref<1x128xi32, #tpu.memory_space<vmem>> -> memref<128xi32, #tpu.memory_space<vmem>>
        %dma_wait3A_262 = arith.constant 0 : i32
        %dma_wait3A_263 = arith.constant 0 : i32
        %dma_wait3A_264 = tpu.memref_slice %arg10[%dma_wait3A_262, %dma_wait3A_263] : memref<10240x64xf32, #tpu.memory_space<vmem_shared>> -> memref<10240x64xf32, #tpu.memory_space<vmem_shared>>
        tpu.wait_indirect_dma semaphore(%arg18 : memref<!tpu.dma_semaphore, #tpu.memory_space<semaphore_mem>>) src(%dma_wait3A_258 : memref<128x64xf32, #tpu.memory_space<vmem>>) dst(%dma_wait3A_264 : memref<10240x64xf32, #tpu.memory_space<vmem_shared>>)
        %add3A_265 = arith.constant 4 : i32
        %add3A_266 = arith.addi %mul3A_89, %add3A_265 : i32
        %add3A_267 = arith.constant 3 : i32
        %add3A_268 = arith.addi %add3A_266, %add3A_267 : i32
        %dma_start3A_269 = arith.constant 384 : i32
        %dma_start3A_270 = arith.constant 0 : i32
        %dma_start3A_271 = tpu.memref_slice %arg9[%dma_start3A_269, %dma_start3A_270] : memref<512x64xf32, #tpu.memory_space<vmem>> -> memref<128x64xf32, #tpu.memory_space<vmem>>
        %dma_start3A_272 = arith.constant 0 : i32
        %dma_start3A_273 = tpu.memref_slice %arg7[%add3A_268, %dma_start3A_272] : memref<80x128xi32, #tpu.memory_space<vmem>> -> memref<1x128xi32, #tpu.memory_space<vmem>>
        %dma_start3A_274 = tpu.memref_squeeze %dma_start3A_273 : memref<1x128xi32, #tpu.memory_space<vmem>> -> memref<128xi32, #tpu.memory_space<vmem>>
        %dma_start3A_275 = arith.constant 0 : i32
        %dma_start3A_276 = arith.constant 0 : i32
        %dma_start3A_277 = tpu.memref_slice %arg2[%dma_start3A_275, %dma_start3A_276] : memref<10000x64xf32, #tpu.memory_space<hbm>> -> memref<10000x64xf32, #tpu.memory_space<hbm>>
        tpu.enqueue_indirect_dma source(%dma_start3A_277 : memref<10000x64xf32, #tpu.memory_space<hbm>>) target(%dma_start3A_271 : memref<128x64xf32, #tpu.memory_space<vmem>>) offsets(%dma_start3A_274 : memref<128xi32, #tpu.memory_space<vmem>>) semaphore(%arg14 : memref<!tpu.dma_semaphore, #tpu.memory_space<semaphore_mem>>)
      } else {
      }
    }
    %scan3A_46 = arith.constant 20 : i32
    %dma_wait3A = arith.constant 0 : i32
    %dma_wait3A_47 = arith.constant 0 : i32
    %dma_wait3A_48 = arith.constant 0 : i32
    %dma_wait3A_49 = tpu.memref_slice %arg9[%dma_wait3A_47, %dma_wait3A_48] : memref<512x64xf32, #tpu.memory_space<vmem>> -> memref<128x64xf32, #tpu.memory_space<vmem>>
    %dma_wait3A_50 = arith.constant 0 : i32
    %dma_wait3A_51 = tpu.memref_slice %arg8[%dma_wait3A, %dma_wait3A_50] : memref<80x128xi32, #tpu.memory_space<vmem>> -> memref<1x128xi32, #tpu.memory_space<vmem>>
    %dma_wait3A_52 = tpu.memref_squeeze %dma_wait3A_51 : memref<1x128xi32, #tpu.memory_space<vmem>> -> memref<128xi32, #tpu.memory_space<vmem>>
    %dma_wait3A_53 = arith.constant 0 : i32
    %dma_wait3A_54 = arith.constant 0 : i32
    %dma_wait3A_55 = tpu.memref_slice %arg10[%dma_wait3A_53, %dma_wait3A_54] : memref<10240x64xf32, #tpu.memory_space<vmem_shared>> -> memref<10240x64xf32, #tpu.memory_space<vmem_shared>>
    tpu.wait_indirect_dma semaphore(%arg15 : memref<!tpu.dma_semaphore, #tpu.memory_space<semaphore_mem>>) src(%dma_wait3A_49 : memref<128x64xf32, #tpu.memory_space<vmem>>) dst(%dma_wait3A_55 : memref<10240x64xf32, #tpu.memory_space<vmem_shared>>)
    %dma_wait3A_56 = arith.constant 1 : i32
    %dma_wait3A_57 = arith.constant 128 : i32
    %dma_wait3A_58 = arith.constant 0 : i32
    %dma_wait3A_59 = tpu.memref_slice %arg9[%dma_wait3A_57, %dma_wait3A_58] : memref<512x64xf32, #tpu.memory_space<vmem>> -> memref<128x64xf32, #tpu.memory_space<vmem>>
    %dma_wait3A_60 = arith.constant 0 : i32
    %dma_wait3A_61 = tpu.memref_slice %arg8[%dma_wait3A_56, %dma_wait3A_60] : memref<80x128xi32, #tpu.memory_space<vmem>> -> memref<1x128xi32, #tpu.memory_space<vmem>>
    %dma_wait3A_62 = tpu.memref_squeeze %dma_wait3A_61 : memref<1x128xi32, #tpu.memory_space<vmem>> -> memref<128xi32, #tpu.memory_space<vmem>>
    %dma_wait3A_63 = arith.constant 0 : i32
    %dma_wait3A_64 = arith.constant 0 : i32
    %dma_wait3A_65 = tpu.memref_slice %arg10[%dma_wait3A_63, %dma_wait3A_64] : memref<10240x64xf32, #tpu.memory_space<vmem_shared>> -> memref<10240x64xf32, #tpu.memory_space<vmem_shared>>
    tpu.wait_indirect_dma semaphore(%arg16 : memref<!tpu.dma_semaphore, #tpu.memory_space<semaphore_mem>>) src(%dma_wait3A_59 : memref<128x64xf32, #tpu.memory_space<vmem>>) dst(%dma_wait3A_65 : memref<10240x64xf32, #tpu.memory_space<vmem_shared>>)
    %dma_wait3A_66 = arith.constant 2 : i32
    %dma_wait3A_67 = arith.constant 256 : i32
    %dma_wait3A_68 = arith.constant 0 : i32
    %dma_wait3A_69 = tpu.memref_slice %arg9[%dma_wait3A_67, %dma_wait3A_68] : memref<512x64xf32, #tpu.memory_space<vmem>> -> memref<128x64xf32, #tpu.memory_space<vmem>>
    %dma_wait3A_70 = arith.constant 0 : i32
    %dma_wait3A_71 = tpu.memref_slice %arg8[%dma_wait3A_66, %dma_wait3A_70] : memref<80x128xi32, #tpu.memory_space<vmem>> -> memref<1x128xi32, #tpu.memory_space<vmem>>
    %dma_wait3A_72 = tpu.memref_squeeze %dma_wait3A_71 : memref<1x128xi32, #tpu.memory_space<vmem>> -> memref<128xi32, #tpu.memory_space<vmem>>
    %dma_wait3A_73 = arith.constant 0 : i32
    %dma_wait3A_74 = arith.constant 0 : i32
    %dma_wait3A_75 = tpu.memref_slice %arg10[%dma_wait3A_73, %dma_wait3A_74] : memref<10240x64xf32, #tpu.memory_space<vmem_shared>> -> memref<10240x64xf32, #tpu.memory_space<vmem_shared>>
    tpu.wait_indirect_dma semaphore(%arg17 : memref<!tpu.dma_semaphore, #tpu.memory_space<semaphore_mem>>) src(%dma_wait3A_69 : memref<128x64xf32, #tpu.memory_space<vmem>>) dst(%dma_wait3A_75 : memref<10240x64xf32, #tpu.memory_space<vmem_shared>>)
    %dma_wait3A_76 = arith.constant 3 : i32
    %dma_wait3A_77 = arith.constant 384 : i32
    %dma_wait3A_78 = arith.constant 0 : i32
    %dma_wait3A_79 = tpu.memref_slice %arg9[%dma_wait3A_77, %dma_wait3A_78] : memref<512x64xf32, #tpu.memory_space<vmem>> -> memref<128x64xf32, #tpu.memory_space<vmem>>
    %dma_wait3A_80 = arith.constant 0 : i32
    %dma_wait3A_81 = tpu.memref_slice %arg8[%dma_wait3A_76, %dma_wait3A_80] : memref<80x128xi32, #tpu.memory_space<vmem>> -> memref<1x128xi32, #tpu.memory_space<vmem>>
    %dma_wait3A_82 = tpu.memref_squeeze %dma_wait3A_81 : memref<1x128xi32, #tpu.memory_space<vmem>> -> memref<128xi32, #tpu.memory_space<vmem>>
    %dma_wait3A_83 = arith.constant 0 : i32
    %dma_wait3A_84 = arith.constant 0 : i32
    %dma_wait3A_85 = tpu.memref_slice %arg10[%dma_wait3A_83, %dma_wait3A_84] : memref<10240x64xf32, #tpu.memory_space<vmem_shared>> -> memref<10240x64xf32, #tpu.memory_space<vmem_shared>>
    tpu.wait_indirect_dma semaphore(%arg18 : memref<!tpu.dma_semaphore, #tpu.memory_space<semaphore_mem>>) src(%dma_wait3A_79 : memref<128x64xf32, #tpu.memory_space<vmem>>) dst(%dma_wait3A_85 : memref<10240x64xf32, #tpu.memory_space<vmem_shared>>)
    %barrier3A_86 = arith.constant 0 : index
    tpu.barrier barrier_id(%barrier3A_86)
    "tpu.region"() ({
      %run_scoped3A = tpu.sem_alloc : memref<!tpu.dma_semaphore, #tpu.memory_space<semaphore_mem>>
      %dma_start3A_87 = arith.constant 0 : i32
      %dma_start3A_88 = tpu.memref_slice %arg6[%arg0, %mul3A_2, %dma_start3A_87] : memref<2x10240x64xf32, #tpu.memory_space<hbm>> -> memref<1x640x64xf32, #tpu.memory_space<hbm>>
      %dma_start3A_89 = tpu.memref_squeeze %dma_start3A_88 : memref<1x640x64xf32, #tpu.memory_space<hbm>> -> memref<640x64xf32, #tpu.memory_space<hbm>>
      %dma_start3A_90 = arith.constant 0 : i32
      %dma_start3A_91 = tpu.memref_slice %arg10[%mul3A_2, %dma_start3A_90] : memref<10240x64xf32, #tpu.memory_space<vmem_shared>> -> memref<640x64xf32, #tpu.memory_space<vmem_shared>>
      tpu.enqueue_dma source(%dma_start3A_91 : memref<640x64xf32, #tpu.memory_space<vmem_shared>>) target(%dma_start3A_89 : memref<640x64xf32, #tpu.memory_space<hbm>>) target_semaphore(%run_scoped3A : memref<!tpu.dma_semaphore, #tpu.memory_space<semaphore_mem>>)
      %dma_wait3A_92 = arith.constant 0 : i32
      %dma_wait3A_93 = tpu.memref_slice %arg6[%arg0, %mul3A_2, %dma_wait3A_92] : memref<2x10240x64xf32, #tpu.memory_space<hbm>> -> memref<1x640x64xf32, #tpu.memory_space<hbm>>
      %dma_wait3A_94 = tpu.memref_squeeze %dma_wait3A_93 : memref<1x640x64xf32, #tpu.memory_space<hbm>> -> memref<640x64xf32, #tpu.memory_space<hbm>>
      %dma_wait3A_95 = arith.constant 0 : i32
      %dma_wait3A_96 = tpu.memref_slice %arg10[%mul3A_2, %dma_wait3A_95] : memref<10240x64xf32, #tpu.memory_space<vmem_shared>> -> memref<640x64xf32, #tpu.memory_space<vmem_shared>>
      tpu.wait_dma2 semaphore(%run_scoped3A : memref<!tpu.dma_semaphore, #tpu.memory_space<semaphore_mem>>) src(%dma_wait3A_96 : memref<640x64xf32, #tpu.memory_space<vmem_shared>>) dst(%dma_wait3A_94 : memref<640x64xf32, #tpu.memory_space<hbm>>)
      tpu.yield
    }) : () -> ()
    return
  }
}

#map = affine_map<(d0, d1) -> (0, 0, 0)>
#map1 = affine_map<(d0, d1) -> (0, 0)>
module attributes {stable_mosaic.version = 14 : i64} {
  func.func @deg(%arg0: i32, %arg1: i32, %arg2: memref<32x80x128xi32, #tpu.memory_space<hbm>>, %arg3: memref<128x16xf32, #tpu.memory_space<hbm>>, %arg4: memref<640x16xf32, #tpu.memory_space<hbm>>, %arg5: memref<2x10240x16xf32, #tpu.memory_space<hbm>>, %arg6: memref<80x128xi32, #tpu.memory_space<vmem>>, %arg7: memref<128x16xf32, #tpu.memory_space<vmem>>, %arg8: memref<10240x16xf32, #tpu.memory_space<vmem_shared>>) attributes {dimension_semantics = [#tpu.dimension_semantics<core_parallel>, #tpu.dimension_semantics<subcore_parallel>], iteration_bounds = array<i64: 2, 16>, scalar_prefetch = 0 : i64, scratch_operands = 3 : i64, tpu.core_type = #tpu.core_type<sc_vector_subcore>, window_params = [{transform_indices = #map}, {transform_indices = #map1}, {transform_indices = #map1}, {transform_indices = #map}]} {
    %mul3A = arith.constant 16 : i32
    %mul3A_0 = arith.muli %arg0, %mul3A : i32
    %add3A = arith.addi %mul3A_0, %arg1 : i32
    %mul3A_1 = arith.constant 640 : i32
    %mul3A_2 = arith.muli %arg1, %mul3A_1 : i32
    "tpu.region"() ({
      %run_scoped3A = tpu.sem_alloc : memref<!tpu.dma_semaphore, #tpu.memory_space<semaphore_mem>>
      %dma_start3A = arith.constant 0 : i32
      %dma_start3A_9 = tpu.memref_slice %arg8[%mul3A_2, %dma_start3A] : memref<10240x16xf32, #tpu.memory_space<vmem_shared>> -> memref<640x16xf32, #tpu.memory_space<vmem_shared>>
      tpu.enqueue_dma source(%arg4 : memref<640x16xf32, #tpu.memory_space<hbm>>) target(%dma_start3A_9 : memref<640x16xf32, #tpu.memory_space<vmem_shared>>) target_semaphore(%run_scoped3A : memref<!tpu.dma_semaphore, #tpu.memory_space<semaphore_mem>>)
      %dma_wait3A = arith.constant 0 : i32
      %dma_wait3A_10 = tpu.memref_slice %arg8[%mul3A_2, %dma_wait3A] : memref<10240x16xf32, #tpu.memory_space<vmem_shared>> -> memref<640x16xf32, #tpu.memory_space<vmem_shared>>
      tpu.wait_dma2 semaphore(%run_scoped3A : memref<!tpu.dma_semaphore, #tpu.memory_space<semaphore_mem>>) src(%arg4 : memref<640x16xf32, #tpu.memory_space<hbm>>) dst(%dma_wait3A_10 : memref<640x16xf32, #tpu.memory_space<vmem_shared>>)
      tpu.yield
    }) : () -> ()
    "tpu.region"() ({
      %run_scoped3A = tpu.sem_alloc : memref<!tpu.dma_semaphore, #tpu.memory_space<semaphore_mem>>
      tpu.enqueue_dma source(%arg3 : memref<128x16xf32, #tpu.memory_space<hbm>>) target(%arg7 : memref<128x16xf32, #tpu.memory_space<vmem>>) target_semaphore(%run_scoped3A : memref<!tpu.dma_semaphore, #tpu.memory_space<semaphore_mem>>)
      tpu.wait_dma2 semaphore(%run_scoped3A : memref<!tpu.dma_semaphore, #tpu.memory_space<semaphore_mem>>) src(%arg3 : memref<128x16xf32, #tpu.memory_space<hbm>>) dst(%arg7 : memref<128x16xf32, #tpu.memory_space<vmem>>)
      tpu.yield
    }) : () -> ()
    "tpu.region"() ({
      %run_scoped3A = tpu.sem_alloc : memref<!tpu.dma_semaphore, #tpu.memory_space<semaphore_mem>>
      %dma_start3A = arith.constant 0 : i32
      %dma_start3A_9 = arith.constant 0 : i32
      %dma_start3A_10 = tpu.memref_slice %arg2[%add3A, %dma_start3A, %dma_start3A_9] : memref<32x80x128xi32, #tpu.memory_space<hbm>> -> memref<1x80x128xi32, #tpu.memory_space<hbm>>
      %dma_start3A_11 = tpu.memref_squeeze %dma_start3A_10 : memref<1x80x128xi32, #tpu.memory_space<hbm>> -> memref<80x128xi32, #tpu.memory_space<hbm>>
      %dma_start3A_12 = arith.constant 0 : i32
      %dma_start3A_13 = arith.constant 0 : i32
      %dma_start3A_14 = tpu.memref_slice %arg2[%add3A, %dma_start3A_12, %dma_start3A_13] : memref<32x80x128xi32, #tpu.memory_space<hbm>> -> memref<1x80x128xi32, #tpu.memory_space<hbm>>
      %dma_start3A_15 = tpu.memref_squeeze %dma_start3A_14 : memref<1x80x128xi32, #tpu.memory_space<hbm>> -> memref<80x128xi32, #tpu.memory_space<hbm>>
      tpu.enqueue_dma source(%dma_start3A_15 : memref<80x128xi32, #tpu.memory_space<hbm>>) target(%arg6 : memref<80x128xi32, #tpu.memory_space<vmem>>) target_semaphore(%run_scoped3A : memref<!tpu.dma_semaphore, #tpu.memory_space<semaphore_mem>>)
      %dma_wait3A = arith.constant 0 : i32
      %dma_wait3A_16 = arith.constant 0 : i32
      %dma_wait3A_17 = tpu.memref_slice %arg2[%add3A, %dma_wait3A, %dma_wait3A_16] : memref<32x80x128xi32, #tpu.memory_space<hbm>> -> memref<1x80x128xi32, #tpu.memory_space<hbm>>
      %dma_wait3A_18 = tpu.memref_squeeze %dma_wait3A_17 : memref<1x80x128xi32, #tpu.memory_space<hbm>> -> memref<80x128xi32, #tpu.memory_space<hbm>>
      %dma_wait3A_19 = arith.constant 0 : i32
      %dma_wait3A_20 = arith.constant 0 : i32
      %dma_wait3A_21 = tpu.memref_slice %arg2[%add3A, %dma_wait3A_19, %dma_wait3A_20] : memref<32x80x128xi32, #tpu.memory_space<hbm>> -> memref<1x80x128xi32, #tpu.memory_space<hbm>>
      %dma_wait3A_22 = tpu.memref_squeeze %dma_wait3A_21 : memref<1x80x128xi32, #tpu.memory_space<hbm>> -> memref<80x128xi32, #tpu.memory_space<hbm>>
      tpu.wait_dma2 semaphore(%run_scoped3A : memref<!tpu.dma_semaphore, #tpu.memory_space<semaphore_mem>>) src(%dma_wait3A_22 : memref<80x128xi32, #tpu.memory_space<hbm>>) dst(%arg6 : memref<80x128xi32, #tpu.memory_space<vmem>>)
      tpu.yield
    }) : () -> ()
    %barrier3A = arith.constant 0 : index
    tpu.barrier barrier_id(%barrier3A)
    %scan3A = arith.constant 0 : i32
    %scan3A_3 = arith.constant 0 : i32
    %scan3A_4 = arith.constant 80 : i32
    %scan3A_5 = arith.addi %scan3A_3, %scan3A_4 : i32
    %scan3A_6 = arith.constant 1 : i32
    scf.for %scan3A_9 = %scan3A_3 to %scan3A_5 step %scan3A_6  : i32 {
      "tpu.region"() ({
        %run_scoped3A = tpu.sem_alloc : memref<!tpu.dma_semaphore, #tpu.memory_space<semaphore_mem>>
        %dma_start3A = arith.constant 0 : i32
        %dma_start3A_10 = tpu.memref_slice %arg6[%scan3A_9, %dma_start3A] : memref<80x128xi32, #tpu.memory_space<vmem>> -> memref<1x128xi32, #tpu.memory_space<vmem>>
        %dma_start3A_11 = tpu.memref_squeeze %dma_start3A_10 : memref<1x128xi32, #tpu.memory_space<vmem>> -> memref<128xi32, #tpu.memory_space<vmem>>
        %dma_start3A_12 = arith.constant 0 : i32
        %dma_start3A_13 = arith.constant 0 : i32
        %dma_start3A_14 = tpu.memref_slice %arg8[%dma_start3A_12, %dma_start3A_13] : memref<10240x16xf32, #tpu.memory_space<vmem_shared>> -> memref<10240x16xf32, #tpu.memory_space<vmem_shared>>
        tpu.enqueue_indirect_dma source(%arg7 : memref<128x16xf32, #tpu.memory_space<vmem>>) target(%dma_start3A_14 : memref<10240x16xf32, #tpu.memory_space<vmem_shared>>) offsets(%dma_start3A_11 : memref<128xi32, #tpu.memory_space<vmem>>) semaphore(%run_scoped3A : memref<!tpu.dma_semaphore, #tpu.memory_space<semaphore_mem>>) {add = true}
        %dma_wait3A = arith.constant 0 : i32
        %dma_wait3A_15 = tpu.memref_slice %arg6[%scan3A_9, %dma_wait3A] : memref<80x128xi32, #tpu.memory_space<vmem>> -> memref<1x128xi32, #tpu.memory_space<vmem>>
        %dma_wait3A_16 = tpu.memref_squeeze %dma_wait3A_15 : memref<1x128xi32, #tpu.memory_space<vmem>> -> memref<128xi32, #tpu.memory_space<vmem>>
        %dma_wait3A_17 = arith.constant 0 : i32
        %dma_wait3A_18 = arith.constant 0 : i32
        %dma_wait3A_19 = tpu.memref_slice %arg8[%dma_wait3A_17, %dma_wait3A_18] : memref<10240x16xf32, #tpu.memory_space<vmem_shared>> -> memref<10240x16xf32, #tpu.memory_space<vmem_shared>>
        tpu.wait_indirect_dma semaphore(%run_scoped3A : memref<!tpu.dma_semaphore, #tpu.memory_space<semaphore_mem>>) src(%arg7 : memref<128x16xf32, #tpu.memory_space<vmem>>) dst(%dma_wait3A_19 : memref<10240x16xf32, #tpu.memory_space<vmem_shared>>)
        tpu.yield
      }) : () -> ()
    }
    %scan3A_7 = arith.constant 80 : i32
    %barrier3A_8 = arith.constant 0 : index
    tpu.barrier barrier_id(%barrier3A_8)
    "tpu.region"() ({
      %run_scoped3A = tpu.sem_alloc : memref<!tpu.dma_semaphore, #tpu.memory_space<semaphore_mem>>
      %dma_start3A = arith.constant 0 : i32
      %dma_start3A_9 = tpu.memref_slice %arg5[%arg0, %mul3A_2, %dma_start3A] : memref<2x10240x16xf32, #tpu.memory_space<hbm>> -> memref<1x640x16xf32, #tpu.memory_space<hbm>>
      %dma_start3A_10 = tpu.memref_squeeze %dma_start3A_9 : memref<1x640x16xf32, #tpu.memory_space<hbm>> -> memref<640x16xf32, #tpu.memory_space<hbm>>
      %dma_start3A_11 = arith.constant 0 : i32
      %dma_start3A_12 = tpu.memref_slice %arg8[%mul3A_2, %dma_start3A_11] : memref<10240x16xf32, #tpu.memory_space<vmem_shared>> -> memref<640x16xf32, #tpu.memory_space<vmem_shared>>
      tpu.enqueue_dma source(%dma_start3A_12 : memref<640x16xf32, #tpu.memory_space<vmem_shared>>) target(%dma_start3A_10 : memref<640x16xf32, #tpu.memory_space<hbm>>) target_semaphore(%run_scoped3A : memref<!tpu.dma_semaphore, #tpu.memory_space<semaphore_mem>>)
      %dma_wait3A = arith.constant 0 : i32
      %dma_wait3A_13 = tpu.memref_slice %arg5[%arg0, %mul3A_2, %dma_wait3A] : memref<2x10240x16xf32, #tpu.memory_space<hbm>> -> memref<1x640x16xf32, #tpu.memory_space<hbm>>
      %dma_wait3A_14 = tpu.memref_squeeze %dma_wait3A_13 : memref<1x640x16xf32, #tpu.memory_space<hbm>> -> memref<640x16xf32, #tpu.memory_space<hbm>>
      %dma_wait3A_15 = arith.constant 0 : i32
      %dma_wait3A_16 = tpu.memref_slice %arg8[%mul3A_2, %dma_wait3A_15] : memref<10240x16xf32, #tpu.memory_space<vmem_shared>> -> memref<640x16xf32, #tpu.memory_space<vmem_shared>>
      tpu.wait_dma2 semaphore(%run_scoped3A : memref<!tpu.dma_semaphore, #tpu.memory_space<semaphore_mem>>) src(%dma_wait3A_16 : memref<640x16xf32, #tpu.memory_space<vmem_shared>>) dst(%dma_wait3A_14 : memref<640x16xf32, #tpu.memory_space<hbm>>)
      tpu.yield
    }) : () -> ()
    return
  }
}

#map = affine_map<(d0, d1) -> (0, 0, 0)>
#map1 = affine_map<(d0, d1) -> (0, 0)>
module attributes {stable_mosaic.version = 14 : i64} {
  func.func @agg(%arg0: i32, %arg1: i32, %arg2: memref<2x10000x64xf32, #tpu.memory_space<hbm>>, %arg3: memref<16x160x128xi32, #tpu.memory_space<hbm>>, %arg4: memref<16x160x128xi32, #tpu.memory_space<hbm>>, %arg5: memref<640x64xf32, #tpu.memory_space<hbm>>, %arg6: memref<2x10240x64xf32, #tpu.memory_space<hbm>>, %arg7: memref<160x128xi32, #tpu.memory_space<vmem>>, %arg8: memref<160x128xi32, #tpu.memory_space<vmem>>, %arg9: memref<512x64xf32, #tpu.memory_space<vmem>>, %arg10: memref<10240x64xf32, #tpu.memory_space<vmem_shared>>, %arg11: memref<!tpu.dma_semaphore, #tpu.memory_space<semaphore_mem>>, %arg12: memref<!tpu.dma_semaphore, #tpu.memory_space<semaphore_mem>>, %arg13: memref<!tpu.dma_semaphore, #tpu.memory_space<semaphore_mem>>, %arg14: memref<!tpu.dma_semaphore, #tpu.memory_space<semaphore_mem>>, %arg15: memref<!tpu.dma_semaphore, #tpu.memory_space<semaphore_mem>>, %arg16: memref<!tpu.dma_semaphore, #tpu.memory_space<semaphore_mem>>, %arg17: memref<!tpu.dma_semaphore, #tpu.memory_space<semaphore_mem>>, %arg18: memref<!tpu.dma_semaphore, #tpu.memory_space<semaphore_mem>>) attributes {dimension_semantics = [#tpu.dimension_semantics<core_parallel>, #tpu.dimension_semantics<subcore_parallel>], iteration_bounds = array<i64: 2, 16>, scalar_prefetch = 0 : i64, scratch_operands = 12 : i64, tpu.core_type = #tpu.core_type<sc_vector_subcore>, window_params = [{transform_indices = #map}, {transform_indices = #map}, {transform_indices = #map}, {transform_indices = #map1}, {transform_indices = #map}]} {
    %mul3A = arith.constant 640 : i32
    %mul3A_0 = arith.muli %arg1, %mul3A : i32
    "tpu.region"() ({
      %run_scoped3A = tpu.sem_alloc : memref<!tpu.dma_semaphore, #tpu.memory_space<semaphore_mem>>
      %dma_start3A_101 = arith.constant 0 : i32
      %dma_start3A_102 = tpu.memref_slice %arg10[%mul3A_0, %dma_start3A_101] : memref<10240x64xf32, #tpu.memory_space<vmem_shared>> -> memref<640x64xf32, #tpu.memory_space<vmem_shared>>
      tpu.enqueue_dma source(%arg5 : memref<640x64xf32, #tpu.memory_space<hbm>>) target(%dma_start3A_102 : memref<640x64xf32, #tpu.memory_space<vmem_shared>>) target_semaphore(%run_scoped3A : memref<!tpu.dma_semaphore, #tpu.memory_space<semaphore_mem>>)
      %dma_wait3A_103 = arith.constant 0 : i32
      %dma_wait3A_104 = tpu.memref_slice %arg10[%mul3A_0, %dma_wait3A_103] : memref<10240x64xf32, #tpu.memory_space<vmem_shared>> -> memref<640x64xf32, #tpu.memory_space<vmem_shared>>
      tpu.wait_dma2 semaphore(%run_scoped3A : memref<!tpu.dma_semaphore, #tpu.memory_space<semaphore_mem>>) src(%arg5 : memref<640x64xf32, #tpu.memory_space<hbm>>) dst(%dma_wait3A_104 : memref<640x64xf32, #tpu.memory_space<vmem_shared>>)
      tpu.yield
    }) : () -> ()
    "tpu.region"() ({
      %run_scoped3A = tpu.sem_alloc : memref<!tpu.dma_semaphore, #tpu.memory_space<semaphore_mem>>
      %dma_start3A_101 = arith.constant 0 : i32
      %dma_start3A_102 = arith.constant 0 : i32
      %dma_start3A_103 = tpu.memref_slice %arg3[%arg1, %dma_start3A_101, %dma_start3A_102] : memref<16x160x128xi32, #tpu.memory_space<hbm>> -> memref<1x160x128xi32, #tpu.memory_space<hbm>>
      %dma_start3A_104 = tpu.memref_squeeze %dma_start3A_103 : memref<1x160x128xi32, #tpu.memory_space<hbm>> -> memref<160x128xi32, #tpu.memory_space<hbm>>
      %dma_start3A_105 = arith.constant 0 : i32
      %dma_start3A_106 = arith.constant 0 : i32
      %dma_start3A_107 = tpu.memref_slice %arg3[%arg1, %dma_start3A_105, %dma_start3A_106] : memref<16x160x128xi32, #tpu.memory_space<hbm>> -> memref<1x160x128xi32, #tpu.memory_space<hbm>>
      %dma_start3A_108 = tpu.memref_squeeze %dma_start3A_107 : memref<1x160x128xi32, #tpu.memory_space<hbm>> -> memref<160x128xi32, #tpu.memory_space<hbm>>
      tpu.enqueue_dma source(%dma_start3A_108 : memref<160x128xi32, #tpu.memory_space<hbm>>) target(%arg7 : memref<160x128xi32, #tpu.memory_space<vmem>>) target_semaphore(%run_scoped3A : memref<!tpu.dma_semaphore, #tpu.memory_space<semaphore_mem>>)
      %dma_wait3A_109 = arith.constant 0 : i32
      %dma_wait3A_110 = arith.constant 0 : i32
      %dma_wait3A_111 = tpu.memref_slice %arg3[%arg1, %dma_wait3A_109, %dma_wait3A_110] : memref<16x160x128xi32, #tpu.memory_space<hbm>> -> memref<1x160x128xi32, #tpu.memory_space<hbm>>
      %dma_wait3A_112 = tpu.memref_squeeze %dma_wait3A_111 : memref<1x160x128xi32, #tpu.memory_space<hbm>> -> memref<160x128xi32, #tpu.memory_space<hbm>>
      %dma_wait3A_113 = arith.constant 0 : i32
      %dma_wait3A_114 = arith.constant 0 : i32
      %dma_wait3A_115 = tpu.memref_slice %arg3[%arg1, %dma_wait3A_113, %dma_wait3A_114] : memref<16x160x128xi32, #tpu.memory_space<hbm>> -> memref<1x160x128xi32, #tpu.memory_space<hbm>>
      %dma_wait3A_116 = tpu.memref_squeeze %dma_wait3A_115 : memref<1x160x128xi32, #tpu.memory_space<hbm>> -> memref<160x128xi32, #tpu.memory_space<hbm>>
      tpu.wait_dma2 semaphore(%run_scoped3A : memref<!tpu.dma_semaphore, #tpu.memory_space<semaphore_mem>>) src(%dma_wait3A_116 : memref<160x128xi32, #tpu.memory_space<hbm>>) dst(%arg7 : memref<160x128xi32, #tpu.memory_space<vmem>>)
      tpu.yield
    }) : () -> ()
    "tpu.region"() ({
      %run_scoped3A = tpu.sem_alloc : memref<!tpu.dma_semaphore, #tpu.memory_space<semaphore_mem>>
      %dma_start3A_101 = arith.constant 0 : i32
      %dma_start3A_102 = arith.constant 0 : i32
      %dma_start3A_103 = tpu.memref_slice %arg4[%arg1, %dma_start3A_101, %dma_start3A_102] : memref<16x160x128xi32, #tpu.memory_space<hbm>> -> memref<1x160x128xi32, #tpu.memory_space<hbm>>
      %dma_start3A_104 = tpu.memref_squeeze %dma_start3A_103 : memref<1x160x128xi32, #tpu.memory_space<hbm>> -> memref<160x128xi32, #tpu.memory_space<hbm>>
      %dma_start3A_105 = arith.constant 0 : i32
      %dma_start3A_106 = arith.constant 0 : i32
      %dma_start3A_107 = tpu.memref_slice %arg4[%arg1, %dma_start3A_105, %dma_start3A_106] : memref<16x160x128xi32, #tpu.memory_space<hbm>> -> memref<1x160x128xi32, #tpu.memory_space<hbm>>
      %dma_start3A_108 = tpu.memref_squeeze %dma_start3A_107 : memref<1x160x128xi32, #tpu.memory_space<hbm>> -> memref<160x128xi32, #tpu.memory_space<hbm>>
      tpu.enqueue_dma source(%dma_start3A_108 : memref<160x128xi32, #tpu.memory_space<hbm>>) target(%arg8 : memref<160x128xi32, #tpu.memory_space<vmem>>) target_semaphore(%run_scoped3A : memref<!tpu.dma_semaphore, #tpu.memory_space<semaphore_mem>>)
      %dma_wait3A_109 = arith.constant 0 : i32
      %dma_wait3A_110 = arith.constant 0 : i32
      %dma_wait3A_111 = tpu.memref_slice %arg4[%arg1, %dma_wait3A_109, %dma_wait3A_110] : memref<16x160x128xi32, #tpu.memory_space<hbm>> -> memref<1x160x128xi32, #tpu.memory_space<hbm>>
      %dma_wait3A_112 = tpu.memref_squeeze %dma_wait3A_111 : memref<1x160x128xi32, #tpu.memory_space<hbm>> -> memref<160x128xi32, #tpu.memory_space<hbm>>
      %dma_wait3A_113 = arith.constant 0 : i32
      %dma_wait3A_114 = arith.constant 0 : i32
      %dma_wait3A_115 = tpu.memref_slice %arg4[%arg1, %dma_wait3A_113, %dma_wait3A_114] : memref<16x160x128xi32, #tpu.memory_space<hbm>> -> memref<1x160x128xi32, #tpu.memory_space<hbm>>
      %dma_wait3A_116 = tpu.memref_squeeze %dma_wait3A_115 : memref<1x160x128xi32, #tpu.memory_space<hbm>> -> memref<160x128xi32, #tpu.memory_space<hbm>>
      tpu.wait_dma2 semaphore(%run_scoped3A : memref<!tpu.dma_semaphore, #tpu.memory_space<semaphore_mem>>) src(%dma_wait3A_116 : memref<160x128xi32, #tpu.memory_space<hbm>>) dst(%arg8 : memref<160x128xi32, #tpu.memory_space<vmem>>)
      tpu.yield
    }) : () -> ()
    %barrier3A = arith.constant 0 : index
    tpu.barrier barrier_id(%barrier3A)
    %dma_start3A = arith.constant 0 : i32
    %dma_start3A_1 = arith.constant 0 : i32
    %dma_start3A_2 = arith.constant 0 : i32
    %dma_start3A_3 = tpu.memref_slice %arg9[%dma_start3A_1, %dma_start3A_2] : memref<512x64xf32, #tpu.memory_space<vmem>> -> memref<128x64xf32, #tpu.memory_space<vmem>>
    %dma_start3A_4 = arith.constant 0 : i32
    %dma_start3A_5 = tpu.memref_slice %arg7[%dma_start3A, %dma_start3A_4] : memref<160x128xi32, #tpu.memory_space<vmem>> -> memref<1x128xi32, #tpu.memory_space<vmem>>
    %dma_start3A_6 = tpu.memref_squeeze %dma_start3A_5 : memref<1x128xi32, #tpu.memory_space<vmem>> -> memref<128xi32, #tpu.memory_space<vmem>>
    %dma_start3A_7 = arith.constant 0 : i32
    %dma_start3A_8 = arith.constant 0 : i32
    %dma_start3A_9 = tpu.memref_slice %arg2[%arg0, %dma_start3A_7, %dma_start3A_8] : memref<2x10000x64xf32, #tpu.memory_space<hbm>> -> memref<1x10000x64xf32, #tpu.memory_space<hbm>>
    %dma_start3A_10 = tpu.memref_squeeze %dma_start3A_9 : memref<1x10000x64xf32, #tpu.memory_space<hbm>> -> memref<10000x64xf32, #tpu.memory_space<hbm>>
    %dma_start3A_11 = arith.constant 0 : i32
    %dma_start3A_12 = arith.constant 0 : i32
    %dma_start3A_13 = tpu.memref_slice %dma_start3A_10[%dma_start3A_11, %dma_start3A_12] : memref<10000x64xf32, #tpu.memory_space<hbm>> -> memref<10000x64xf32, #tpu.memory_space<hbm>>
    tpu.enqueue_indirect_dma source(%dma_start3A_13 : memref<10000x64xf32, #tpu.memory_space<hbm>>) target(%dma_start3A_3 : memref<128x64xf32, #tpu.memory_space<vmem>>) offsets(%dma_start3A_6 : memref<128xi32, #tpu.memory_space<vmem>>) semaphore(%arg11 : memref<!tpu.dma_semaphore, #tpu.memory_space<semaphore_mem>>)
    %dma_start3A_14 = arith.constant 1 : i32
    %dma_start3A_15 = arith.constant 128 : i32
    %dma_start3A_16 = arith.constant 0 : i32
    %dma_start3A_17 = tpu.memref_slice %arg9[%dma_start3A_15, %dma_start3A_16] : memref<512x64xf32, #tpu.memory_space<vmem>> -> memref<128x64xf32, #tpu.memory_space<vmem>>
    %dma_start3A_18 = arith.constant 0 : i32
    %dma_start3A_19 = tpu.memref_slice %arg7[%dma_start3A_14, %dma_start3A_18] : memref<160x128xi32, #tpu.memory_space<vmem>> -> memref<1x128xi32, #tpu.memory_space<vmem>>
    %dma_start3A_20 = tpu.memref_squeeze %dma_start3A_19 : memref<1x128xi32, #tpu.memory_space<vmem>> -> memref<128xi32, #tpu.memory_space<vmem>>
    %dma_start3A_21 = arith.constant 0 : i32
    %dma_start3A_22 = arith.constant 0 : i32
    %dma_start3A_23 = tpu.memref_slice %arg2[%arg0, %dma_start3A_21, %dma_start3A_22] : memref<2x10000x64xf32, #tpu.memory_space<hbm>> -> memref<1x10000x64xf32, #tpu.memory_space<hbm>>
    %dma_start3A_24 = tpu.memref_squeeze %dma_start3A_23 : memref<1x10000x64xf32, #tpu.memory_space<hbm>> -> memref<10000x64xf32, #tpu.memory_space<hbm>>
    %dma_start3A_25 = arith.constant 0 : i32
    %dma_start3A_26 = arith.constant 0 : i32
    %dma_start3A_27 = tpu.memref_slice %dma_start3A_24[%dma_start3A_25, %dma_start3A_26] : memref<10000x64xf32, #tpu.memory_space<hbm>> -> memref<10000x64xf32, #tpu.memory_space<hbm>>
    tpu.enqueue_indirect_dma source(%dma_start3A_27 : memref<10000x64xf32, #tpu.memory_space<hbm>>) target(%dma_start3A_17 : memref<128x64xf32, #tpu.memory_space<vmem>>) offsets(%dma_start3A_20 : memref<128xi32, #tpu.memory_space<vmem>>) semaphore(%arg12 : memref<!tpu.dma_semaphore, #tpu.memory_space<semaphore_mem>>)
    %dma_start3A_28 = arith.constant 2 : i32
    %dma_start3A_29 = arith.constant 256 : i32
    %dma_start3A_30 = arith.constant 0 : i32
    %dma_start3A_31 = tpu.memref_slice %arg9[%dma_start3A_29, %dma_start3A_30] : memref<512x64xf32, #tpu.memory_space<vmem>> -> memref<128x64xf32, #tpu.memory_space<vmem>>
    %dma_start3A_32 = arith.constant 0 : i32
    %dma_start3A_33 = tpu.memref_slice %arg7[%dma_start3A_28, %dma_start3A_32] : memref<160x128xi32, #tpu.memory_space<vmem>> -> memref<1x128xi32, #tpu.memory_space<vmem>>
    %dma_start3A_34 = tpu.memref_squeeze %dma_start3A_33 : memref<1x128xi32, #tpu.memory_space<vmem>> -> memref<128xi32, #tpu.memory_space<vmem>>
    %dma_start3A_35 = arith.constant 0 : i32
    %dma_start3A_36 = arith.constant 0 : i32
    %dma_start3A_37 = tpu.memref_slice %arg2[%arg0, %dma_start3A_35, %dma_start3A_36] : memref<2x10000x64xf32, #tpu.memory_space<hbm>> -> memref<1x10000x64xf32, #tpu.memory_space<hbm>>
    %dma_start3A_38 = tpu.memref_squeeze %dma_start3A_37 : memref<1x10000x64xf32, #tpu.memory_space<hbm>> -> memref<10000x64xf32, #tpu.memory_space<hbm>>
    %dma_start3A_39 = arith.constant 0 : i32
    %dma_start3A_40 = arith.constant 0 : i32
    %dma_start3A_41 = tpu.memref_slice %dma_start3A_38[%dma_start3A_39, %dma_start3A_40] : memref<10000x64xf32, #tpu.memory_space<hbm>> -> memref<10000x64xf32, #tpu.memory_space<hbm>>
    tpu.enqueue_indirect_dma source(%dma_start3A_41 : memref<10000x64xf32, #tpu.memory_space<hbm>>) target(%dma_start3A_31 : memref<128x64xf32, #tpu.memory_space<vmem>>) offsets(%dma_start3A_34 : memref<128xi32, #tpu.memory_space<vmem>>) semaphore(%arg13 : memref<!tpu.dma_semaphore, #tpu.memory_space<semaphore_mem>>)
    %dma_start3A_42 = arith.constant 3 : i32
    %dma_start3A_43 = arith.constant 384 : i32
    %dma_start3A_44 = arith.constant 0 : i32
    %dma_start3A_45 = tpu.memref_slice %arg9[%dma_start3A_43, %dma_start3A_44] : memref<512x64xf32, #tpu.memory_space<vmem>> -> memref<128x64xf32, #tpu.memory_space<vmem>>
    %dma_start3A_46 = arith.constant 0 : i32
    %dma_start3A_47 = tpu.memref_slice %arg7[%dma_start3A_42, %dma_start3A_46] : memref<160x128xi32, #tpu.memory_space<vmem>> -> memref<1x128xi32, #tpu.memory_space<vmem>>
    %dma_start3A_48 = tpu.memref_squeeze %dma_start3A_47 : memref<1x128xi32, #tpu.memory_space<vmem>> -> memref<128xi32, #tpu.memory_space<vmem>>
    %dma_start3A_49 = arith.constant 0 : i32
    %dma_start3A_50 = arith.constant 0 : i32
    %dma_start3A_51 = tpu.memref_slice %arg2[%arg0, %dma_start3A_49, %dma_start3A_50] : memref<2x10000x64xf32, #tpu.memory_space<hbm>> -> memref<1x10000x64xf32, #tpu.memory_space<hbm>>
    %dma_start3A_52 = tpu.memref_squeeze %dma_start3A_51 : memref<1x10000x64xf32, #tpu.memory_space<hbm>> -> memref<10000x64xf32, #tpu.memory_space<hbm>>
    %dma_start3A_53 = arith.constant 0 : i32
    %dma_start3A_54 = arith.constant 0 : i32
    %dma_start3A_55 = tpu.memref_slice %dma_start3A_52[%dma_start3A_53, %dma_start3A_54] : memref<10000x64xf32, #tpu.memory_space<hbm>> -> memref<10000x64xf32, #tpu.memory_space<hbm>>
    tpu.enqueue_indirect_dma source(%dma_start3A_55 : memref<10000x64xf32, #tpu.memory_space<hbm>>) target(%dma_start3A_45 : memref<128x64xf32, #tpu.memory_space<vmem>>) offsets(%dma_start3A_48 : memref<128xi32, #tpu.memory_space<vmem>>) semaphore(%arg14 : memref<!tpu.dma_semaphore, #tpu.memory_space<semaphore_mem>>)
    %scan3A = arith.constant 0 : i32
    %scan3A_56 = arith.constant 0 : i32
    %scan3A_57 = arith.constant 40 : i32
    %scan3A_58 = arith.addi %scan3A_56, %scan3A_57 : i32
    %scan3A_59 = arith.constant 1 : i32
    scf.for %scan3A_101 = %scan3A_56 to %scan3A_58 step %scan3A_59  : i32 {
      %mul3A_102 = arith.constant 4 : i32
      %mul3A_103 = arith.muli %scan3A_101, %mul3A_102 : i32
      %add3A = arith.constant 0 : i32
      %add3A_104 = arith.addi %mul3A_103, %add3A : i32
      %dma_wait3A_105 = arith.constant 0 : i32
      %dma_wait3A_106 = arith.constant 0 : i32
      %dma_wait3A_107 = tpu.memref_slice %arg9[%dma_wait3A_105, %dma_wait3A_106] : memref<512x64xf32, #tpu.memory_space<vmem>> -> memref<128x64xf32, #tpu.memory_space<vmem>>
      %dma_wait3A_108 = arith.constant 0 : i32
      %dma_wait3A_109 = tpu.memref_slice %arg7[%add3A_104, %dma_wait3A_108] : memref<160x128xi32, #tpu.memory_space<vmem>> -> memref<1x128xi32, #tpu.memory_space<vmem>>
      %dma_wait3A_110 = tpu.memref_squeeze %dma_wait3A_109 : memref<1x128xi32, #tpu.memory_space<vmem>> -> memref<128xi32, #tpu.memory_space<vmem>>
      %dma_wait3A_111 = arith.constant 0 : i32
      %dma_wait3A_112 = arith.constant 0 : i32
      %dma_wait3A_113 = tpu.memref_slice %arg2[%arg0, %dma_wait3A_111, %dma_wait3A_112] : memref<2x10000x64xf32, #tpu.memory_space<hbm>> -> memref<1x10000x64xf32, #tpu.memory_space<hbm>>
      %dma_wait3A_114 = tpu.memref_squeeze %dma_wait3A_113 : memref<1x10000x64xf32, #tpu.memory_space<hbm>> -> memref<10000x64xf32, #tpu.memory_space<hbm>>
      %dma_wait3A_115 = arith.constant 0 : i32
      %dma_wait3A_116 = arith.constant 0 : i32
      %dma_wait3A_117 = tpu.memref_slice %dma_wait3A_114[%dma_wait3A_115, %dma_wait3A_116] : memref<10000x64xf32, #tpu.memory_space<hbm>> -> memref<10000x64xf32, #tpu.memory_space<hbm>>
      tpu.wait_indirect_dma semaphore(%arg11 : memref<!tpu.dma_semaphore, #tpu.memory_space<semaphore_mem>>) src(%dma_wait3A_117 : memref<10000x64xf32, #tpu.memory_space<hbm>>) dst(%dma_wait3A_107 : memref<128x64xf32, #tpu.memory_space<vmem>>)
      %add3A_118 = arith.constant 0 : i32
      %add3A_119 = arith.addi %mul3A_103, %add3A_118 : i32
      %dma_start3A_120 = arith.constant 0 : i32
      %dma_start3A_121 = arith.constant 0 : i32
      %dma_start3A_122 = tpu.memref_slice %arg9[%dma_start3A_120, %dma_start3A_121] : memref<512x64xf32, #tpu.memory_space<vmem>> -> memref<128x64xf32, #tpu.memory_space<vmem>>
      %dma_start3A_123 = arith.constant 0 : i32
      %dma_start3A_124 = tpu.memref_slice %arg8[%add3A_119, %dma_start3A_123] : memref<160x128xi32, #tpu.memory_space<vmem>> -> memref<1x128xi32, #tpu.memory_space<vmem>>
      %dma_start3A_125 = tpu.memref_squeeze %dma_start3A_124 : memref<1x128xi32, #tpu.memory_space<vmem>> -> memref<128xi32, #tpu.memory_space<vmem>>
      %dma_start3A_126 = arith.constant 0 : i32
      %dma_start3A_127 = arith.constant 0 : i32
      %dma_start3A_128 = tpu.memref_slice %arg10[%dma_start3A_126, %dma_start3A_127] : memref<10240x64xf32, #tpu.memory_space<vmem_shared>> -> memref<10240x64xf32, #tpu.memory_space<vmem_shared>>
      tpu.enqueue_indirect_dma source(%dma_start3A_122 : memref<128x64xf32, #tpu.memory_space<vmem>>) target(%dma_start3A_128 : memref<10240x64xf32, #tpu.memory_space<vmem_shared>>) offsets(%dma_start3A_125 : memref<128xi32, #tpu.memory_space<vmem>>) semaphore(%arg15 : memref<!tpu.dma_semaphore, #tpu.memory_space<semaphore_mem>>) {add = true}
      %add3A_129 = arith.constant 1 : i32
      %add3A_130 = arith.addi %mul3A_103, %add3A_129 : i32
      %dma_wait3A_131 = arith.constant 128 : i32
      %dma_wait3A_132 = arith.constant 0 : i32
      %dma_wait3A_133 = tpu.memref_slice %arg9[%dma_wait3A_131, %dma_wait3A_132] : memref<512x64xf32, #tpu.memory_space<vmem>> -> memref<128x64xf32, #tpu.memory_space<vmem>>
      %dma_wait3A_134 = arith.constant 0 : i32
      %dma_wait3A_135 = tpu.memref_slice %arg7[%add3A_130, %dma_wait3A_134] : memref<160x128xi32, #tpu.memory_space<vmem>> -> memref<1x128xi32, #tpu.memory_space<vmem>>
      %dma_wait3A_136 = tpu.memref_squeeze %dma_wait3A_135 : memref<1x128xi32, #tpu.memory_space<vmem>> -> memref<128xi32, #tpu.memory_space<vmem>>
      %dma_wait3A_137 = arith.constant 0 : i32
      %dma_wait3A_138 = arith.constant 0 : i32
      %dma_wait3A_139 = tpu.memref_slice %arg2[%arg0, %dma_wait3A_137, %dma_wait3A_138] : memref<2x10000x64xf32, #tpu.memory_space<hbm>> -> memref<1x10000x64xf32, #tpu.memory_space<hbm>>
      %dma_wait3A_140 = tpu.memref_squeeze %dma_wait3A_139 : memref<1x10000x64xf32, #tpu.memory_space<hbm>> -> memref<10000x64xf32, #tpu.memory_space<hbm>>
      %dma_wait3A_141 = arith.constant 0 : i32
      %dma_wait3A_142 = arith.constant 0 : i32
      %dma_wait3A_143 = tpu.memref_slice %dma_wait3A_140[%dma_wait3A_141, %dma_wait3A_142] : memref<10000x64xf32, #tpu.memory_space<hbm>> -> memref<10000x64xf32, #tpu.memory_space<hbm>>
      tpu.wait_indirect_dma semaphore(%arg12 : memref<!tpu.dma_semaphore, #tpu.memory_space<semaphore_mem>>) src(%dma_wait3A_143 : memref<10000x64xf32, #tpu.memory_space<hbm>>) dst(%dma_wait3A_133 : memref<128x64xf32, #tpu.memory_space<vmem>>)
      %add3A_144 = arith.constant 1 : i32
      %add3A_145 = arith.addi %mul3A_103, %add3A_144 : i32
      %dma_start3A_146 = arith.constant 128 : i32
      %dma_start3A_147 = arith.constant 0 : i32
      %dma_start3A_148 = tpu.memref_slice %arg9[%dma_start3A_146, %dma_start3A_147] : memref<512x64xf32, #tpu.memory_space<vmem>> -> memref<128x64xf32, #tpu.memory_space<vmem>>
      %dma_start3A_149 = arith.constant 0 : i32
      %dma_start3A_150 = tpu.memref_slice %arg8[%add3A_145, %dma_start3A_149] : memref<160x128xi32, #tpu.memory_space<vmem>> -> memref<1x128xi32, #tpu.memory_space<vmem>>
      %dma_start3A_151 = tpu.memref_squeeze %dma_start3A_150 : memref<1x128xi32, #tpu.memory_space<vmem>> -> memref<128xi32, #tpu.memory_space<vmem>>
      %dma_start3A_152 = arith.constant 0 : i32
      %dma_start3A_153 = arith.constant 0 : i32
      %dma_start3A_154 = tpu.memref_slice %arg10[%dma_start3A_152, %dma_start3A_153] : memref<10240x64xf32, #tpu.memory_space<vmem_shared>> -> memref<10240x64xf32, #tpu.memory_space<vmem_shared>>
      tpu.enqueue_indirect_dma source(%dma_start3A_148 : memref<128x64xf32, #tpu.memory_space<vmem>>) target(%dma_start3A_154 : memref<10240x64xf32, #tpu.memory_space<vmem_shared>>) offsets(%dma_start3A_151 : memref<128xi32, #tpu.memory_space<vmem>>) semaphore(%arg16 : memref<!tpu.dma_semaphore, #tpu.memory_space<semaphore_mem>>) {add = true}
      %add3A_155 = arith.constant 2 : i32
      %add3A_156 = arith.addi %mul3A_103, %add3A_155 : i32
      %dma_wait3A_157 = arith.constant 256 : i32
      %dma_wait3A_158 = arith.constant 0 : i32
      %dma_wait3A_159 = tpu.memref_slice %arg9[%dma_wait3A_157, %dma_wait3A_158] : memref<512x64xf32, #tpu.memory_space<vmem>> -> memref<128x64xf32, #tpu.memory_space<vmem>>
      %dma_wait3A_160 = arith.constant 0 : i32
      %dma_wait3A_161 = tpu.memref_slice %arg7[%add3A_156, %dma_wait3A_160] : memref<160x128xi32, #tpu.memory_space<vmem>> -> memref<1x128xi32, #tpu.memory_space<vmem>>
      %dma_wait3A_162 = tpu.memref_squeeze %dma_wait3A_161 : memref<1x128xi32, #tpu.memory_space<vmem>> -> memref<128xi32, #tpu.memory_space<vmem>>
      %dma_wait3A_163 = arith.constant 0 : i32
      %dma_wait3A_164 = arith.constant 0 : i32
      %dma_wait3A_165 = tpu.memref_slice %arg2[%arg0, %dma_wait3A_163, %dma_wait3A_164] : memref<2x10000x64xf32, #tpu.memory_space<hbm>> -> memref<1x10000x64xf32, #tpu.memory_space<hbm>>
      %dma_wait3A_166 = tpu.memref_squeeze %dma_wait3A_165 : memref<1x10000x64xf32, #tpu.memory_space<hbm>> -> memref<10000x64xf32, #tpu.memory_space<hbm>>
      %dma_wait3A_167 = arith.constant 0 : i32
      %dma_wait3A_168 = arith.constant 0 : i32
      %dma_wait3A_169 = tpu.memref_slice %dma_wait3A_166[%dma_wait3A_167, %dma_wait3A_168] : memref<10000x64xf32, #tpu.memory_space<hbm>> -> memref<10000x64xf32, #tpu.memory_space<hbm>>
      tpu.wait_indirect_dma semaphore(%arg13 : memref<!tpu.dma_semaphore, #tpu.memory_space<semaphore_mem>>) src(%dma_wait3A_169 : memref<10000x64xf32, #tpu.memory_space<hbm>>) dst(%dma_wait3A_159 : memref<128x64xf32, #tpu.memory_space<vmem>>)
      %add3A_170 = arith.constant 2 : i32
      %add3A_171 = arith.addi %mul3A_103, %add3A_170 : i32
      %dma_start3A_172 = arith.constant 256 : i32
      %dma_start3A_173 = arith.constant 0 : i32
      %dma_start3A_174 = tpu.memref_slice %arg9[%dma_start3A_172, %dma_start3A_173] : memref<512x64xf32, #tpu.memory_space<vmem>> -> memref<128x64xf32, #tpu.memory_space<vmem>>
      %dma_start3A_175 = arith.constant 0 : i32
      %dma_start3A_176 = tpu.memref_slice %arg8[%add3A_171, %dma_start3A_175] : memref<160x128xi32, #tpu.memory_space<vmem>> -> memref<1x128xi32, #tpu.memory_space<vmem>>
      %dma_start3A_177 = tpu.memref_squeeze %dma_start3A_176 : memref<1x128xi32, #tpu.memory_space<vmem>> -> memref<128xi32, #tpu.memory_space<vmem>>
      %dma_start3A_178 = arith.constant 0 : i32
      %dma_start3A_179 = arith.constant 0 : i32
      %dma_start3A_180 = tpu.memref_slice %arg10[%dma_start3A_178, %dma_start3A_179] : memref<10240x64xf32, #tpu.memory_space<vmem_shared>> -> memref<10240x64xf32, #tpu.memory_space<vmem_shared>>
      tpu.enqueue_indirect_dma source(%dma_start3A_174 : memref<128x64xf32, #tpu.memory_space<vmem>>) target(%dma_start3A_180 : memref<10240x64xf32, #tpu.memory_space<vmem_shared>>) offsets(%dma_start3A_177 : memref<128xi32, #tpu.memory_space<vmem>>) semaphore(%arg17 : memref<!tpu.dma_semaphore, #tpu.memory_space<semaphore_mem>>) {add = true}
      %add3A_181 = arith.constant 3 : i32
      %add3A_182 = arith.addi %mul3A_103, %add3A_181 : i32
      %dma_wait3A_183 = arith.constant 384 : i32
      %dma_wait3A_184 = arith.constant 0 : i32
      %dma_wait3A_185 = tpu.memref_slice %arg9[%dma_wait3A_183, %dma_wait3A_184] : memref<512x64xf32, #tpu.memory_space<vmem>> -> memref<128x64xf32, #tpu.memory_space<vmem>>
      %dma_wait3A_186 = arith.constant 0 : i32
      %dma_wait3A_187 = tpu.memref_slice %arg7[%add3A_182, %dma_wait3A_186] : memref<160x128xi32, #tpu.memory_space<vmem>> -> memref<1x128xi32, #tpu.memory_space<vmem>>
      %dma_wait3A_188 = tpu.memref_squeeze %dma_wait3A_187 : memref<1x128xi32, #tpu.memory_space<vmem>> -> memref<128xi32, #tpu.memory_space<vmem>>
      %dma_wait3A_189 = arith.constant 0 : i32
      %dma_wait3A_190 = arith.constant 0 : i32
      %dma_wait3A_191 = tpu.memref_slice %arg2[%arg0, %dma_wait3A_189, %dma_wait3A_190] : memref<2x10000x64xf32, #tpu.memory_space<hbm>> -> memref<1x10000x64xf32, #tpu.memory_space<hbm>>
      %dma_wait3A_192 = tpu.memref_squeeze %dma_wait3A_191 : memref<1x10000x64xf32, #tpu.memory_space<hbm>> -> memref<10000x64xf32, #tpu.memory_space<hbm>>
      %dma_wait3A_193 = arith.constant 0 : i32
      %dma_wait3A_194 = arith.constant 0 : i32
      %dma_wait3A_195 = tpu.memref_slice %dma_wait3A_192[%dma_wait3A_193, %dma_wait3A_194] : memref<10000x64xf32, #tpu.memory_space<hbm>> -> memref<10000x64xf32, #tpu.memory_space<hbm>>
      tpu.wait_indirect_dma semaphore(%arg14 : memref<!tpu.dma_semaphore, #tpu.memory_space<semaphore_mem>>) src(%dma_wait3A_195 : memref<10000x64xf32, #tpu.memory_space<hbm>>) dst(%dma_wait3A_185 : memref<128x64xf32, #tpu.memory_space<vmem>>)
      %add3A_196 = arith.constant 3 : i32
      %add3A_197 = arith.addi %mul3A_103, %add3A_196 : i32
      %dma_start3A_198 = arith.constant 384 : i32
      %dma_start3A_199 = arith.constant 0 : i32
      %dma_start3A_200 = tpu.memref_slice %arg9[%dma_start3A_198, %dma_start3A_199] : memref<512x64xf32, #tpu.memory_space<vmem>> -> memref<128x64xf32, #tpu.memory_space<vmem>>
      %dma_start3A_201 = arith.constant 0 : i32
      %dma_start3A_202 = tpu.memref_slice %arg8[%add3A_197, %dma_start3A_201] : memref<160x128xi32, #tpu.memory_space<vmem>> -> memref<1x128xi32, #tpu.memory_space<vmem>>
      %dma_start3A_203 = tpu.memref_squeeze %dma_start3A_202 : memref<1x128xi32, #tpu.memory_space<vmem>> -> memref<128xi32, #tpu.memory_space<vmem>>
      %dma_start3A_204 = arith.constant 0 : i32
      %dma_start3A_205 = arith.constant 0 : i32
      %dma_start3A_206 = tpu.memref_slice %arg10[%dma_start3A_204, %dma_start3A_205] : memref<10240x64xf32, #tpu.memory_space<vmem_shared>> -> memref<10240x64xf32, #tpu.memory_space<vmem_shared>>
      tpu.enqueue_indirect_dma source(%dma_start3A_200 : memref<128x64xf32, #tpu.memory_space<vmem>>) target(%dma_start3A_206 : memref<10240x64xf32, #tpu.memory_space<vmem_shared>>) offsets(%dma_start3A_203 : memref<128xi32, #tpu.memory_space<vmem>>) semaphore(%arg18 : memref<!tpu.dma_semaphore, #tpu.memory_space<semaphore_mem>>) {add = true}
      %add3A_207 = arith.constant 1 : i32
      %add3A_208 = arith.addi %scan3A_101, %add3A_207 : i32
      %lt3A = arith.constant 40 : i32
      %lt3A_209 = arith.cmpi slt, %add3A_208, %lt3A : i32
      %convert_element_type3A = arith.extui %lt3A_209 : i1 to i32
      %cond3A = arith.constant 0 : i32
      %cond3A_210 = arith.cmpi ne, %convert_element_type3A, %cond3A : i32
      scf.if %cond3A_210 {
        %add3A_211 = arith.constant 0 : i32
        %add3A_212 = arith.addi %mul3A_103, %add3A_211 : i32
        %dma_wait3A_213 = arith.constant 0 : i32
        %dma_wait3A_214 = arith.constant 0 : i32
        %dma_wait3A_215 = tpu.memref_slice %arg9[%dma_wait3A_213, %dma_wait3A_214] : memref<512x64xf32, #tpu.memory_space<vmem>> -> memref<128x64xf32, #tpu.memory_space<vmem>>
        %dma_wait3A_216 = arith.constant 0 : i32
        %dma_wait3A_217 = tpu.memref_slice %arg8[%add3A_212, %dma_wait3A_216] : memref<160x128xi32, #tpu.memory_space<vmem>> -> memref<1x128xi32, #tpu.memory_space<vmem>>
        %dma_wait3A_218 = tpu.memref_squeeze %dma_wait3A_217 : memref<1x128xi32, #tpu.memory_space<vmem>> -> memref<128xi32, #tpu.memory_space<vmem>>
        %dma_wait3A_219 = arith.constant 0 : i32
        %dma_wait3A_220 = arith.constant 0 : i32
        %dma_wait3A_221 = tpu.memref_slice %arg10[%dma_wait3A_219, %dma_wait3A_220] : memref<10240x64xf32, #tpu.memory_space<vmem_shared>> -> memref<10240x64xf32, #tpu.memory_space<vmem_shared>>
        tpu.wait_indirect_dma semaphore(%arg15 : memref<!tpu.dma_semaphore, #tpu.memory_space<semaphore_mem>>) src(%dma_wait3A_215 : memref<128x64xf32, #tpu.memory_space<vmem>>) dst(%dma_wait3A_221 : memref<10240x64xf32, #tpu.memory_space<vmem_shared>>)
        %add3A_222 = arith.constant 4 : i32
        %add3A_223 = arith.addi %mul3A_103, %add3A_222 : i32
        %add3A_224 = arith.constant 0 : i32
        %add3A_225 = arith.addi %add3A_223, %add3A_224 : i32
        %dma_start3A_226 = arith.constant 0 : i32
        %dma_start3A_227 = arith.constant 0 : i32
        %dma_start3A_228 = tpu.memref_slice %arg9[%dma_start3A_226, %dma_start3A_227] : memref<512x64xf32, #tpu.memory_space<vmem>> -> memref<128x64xf32, #tpu.memory_space<vmem>>
        %dma_start3A_229 = arith.constant 0 : i32
        %dma_start3A_230 = tpu.memref_slice %arg7[%add3A_225, %dma_start3A_229] : memref<160x128xi32, #tpu.memory_space<vmem>> -> memref<1x128xi32, #tpu.memory_space<vmem>>
        %dma_start3A_231 = tpu.memref_squeeze %dma_start3A_230 : memref<1x128xi32, #tpu.memory_space<vmem>> -> memref<128xi32, #tpu.memory_space<vmem>>
        %dma_start3A_232 = arith.constant 0 : i32
        %dma_start3A_233 = arith.constant 0 : i32
        %dma_start3A_234 = tpu.memref_slice %arg2[%arg0, %dma_start3A_232, %dma_start3A_233] : memref<2x10000x64xf32, #tpu.memory_space<hbm>> -> memref<1x10000x64xf32, #tpu.memory_space<hbm>>
        %dma_start3A_235 = tpu.memref_squeeze %dma_start3A_234 : memref<1x10000x64xf32, #tpu.memory_space<hbm>> -> memref<10000x64xf32, #tpu.memory_space<hbm>>
        %dma_start3A_236 = arith.constant 0 : i32
        %dma_start3A_237 = arith.constant 0 : i32
        %dma_start3A_238 = tpu.memref_slice %dma_start3A_235[%dma_start3A_236, %dma_start3A_237] : memref<10000x64xf32, #tpu.memory_space<hbm>> -> memref<10000x64xf32, #tpu.memory_space<hbm>>
        tpu.enqueue_indirect_dma source(%dma_start3A_238 : memref<10000x64xf32, #tpu.memory_space<hbm>>) target(%dma_start3A_228 : memref<128x64xf32, #tpu.memory_space<vmem>>) offsets(%dma_start3A_231 : memref<128xi32, #tpu.memory_space<vmem>>) semaphore(%arg11 : memref<!tpu.dma_semaphore, #tpu.memory_space<semaphore_mem>>)
        %add3A_239 = arith.constant 1 : i32
        %add3A_240 = arith.addi %mul3A_103, %add3A_239 : i32
        %dma_wait3A_241 = arith.constant 128 : i32
        %dma_wait3A_242 = arith.constant 0 : i32
        %dma_wait3A_243 = tpu.memref_slice %arg9[%dma_wait3A_241, %dma_wait3A_242] : memref<512x64xf32, #tpu.memory_space<vmem>> -> memref<128x64xf32, #tpu.memory_space<vmem>>
        %dma_wait3A_244 = arith.constant 0 : i32
        %dma_wait3A_245 = tpu.memref_slice %arg8[%add3A_240, %dma_wait3A_244] : memref<160x128xi32, #tpu.memory_space<vmem>> -> memref<1x128xi32, #tpu.memory_space<vmem>>
        %dma_wait3A_246 = tpu.memref_squeeze %dma_wait3A_245 : memref<1x128xi32, #tpu.memory_space<vmem>> -> memref<128xi32, #tpu.memory_space<vmem>>
        %dma_wait3A_247 = arith.constant 0 : i32
        %dma_wait3A_248 = arith.constant 0 : i32
        %dma_wait3A_249 = tpu.memref_slice %arg10[%dma_wait3A_247, %dma_wait3A_248] : memref<10240x64xf32, #tpu.memory_space<vmem_shared>> -> memref<10240x64xf32, #tpu.memory_space<vmem_shared>>
        tpu.wait_indirect_dma semaphore(%arg16 : memref<!tpu.dma_semaphore, #tpu.memory_space<semaphore_mem>>) src(%dma_wait3A_243 : memref<128x64xf32, #tpu.memory_space<vmem>>) dst(%dma_wait3A_249 : memref<10240x64xf32, #tpu.memory_space<vmem_shared>>)
        %add3A_250 = arith.constant 4 : i32
        %add3A_251 = arith.addi %mul3A_103, %add3A_250 : i32
        %add3A_252 = arith.constant 1 : i32
        %add3A_253 = arith.addi %add3A_251, %add3A_252 : i32
        %dma_start3A_254 = arith.constant 128 : i32
        %dma_start3A_255 = arith.constant 0 : i32
        %dma_start3A_256 = tpu.memref_slice %arg9[%dma_start3A_254, %dma_start3A_255] : memref<512x64xf32, #tpu.memory_space<vmem>> -> memref<128x64xf32, #tpu.memory_space<vmem>>
        %dma_start3A_257 = arith.constant 0 : i32
        %dma_start3A_258 = tpu.memref_slice %arg7[%add3A_253, %dma_start3A_257] : memref<160x128xi32, #tpu.memory_space<vmem>> -> memref<1x128xi32, #tpu.memory_space<vmem>>
        %dma_start3A_259 = tpu.memref_squeeze %dma_start3A_258 : memref<1x128xi32, #tpu.memory_space<vmem>> -> memref<128xi32, #tpu.memory_space<vmem>>
        %dma_start3A_260 = arith.constant 0 : i32
        %dma_start3A_261 = arith.constant 0 : i32
        %dma_start3A_262 = tpu.memref_slice %arg2[%arg0, %dma_start3A_260, %dma_start3A_261] : memref<2x10000x64xf32, #tpu.memory_space<hbm>> -> memref<1x10000x64xf32, #tpu.memory_space<hbm>>
        %dma_start3A_263 = tpu.memref_squeeze %dma_start3A_262 : memref<1x10000x64xf32, #tpu.memory_space<hbm>> -> memref<10000x64xf32, #tpu.memory_space<hbm>>
        %dma_start3A_264 = arith.constant 0 : i32
        %dma_start3A_265 = arith.constant 0 : i32
        %dma_start3A_266 = tpu.memref_slice %dma_start3A_263[%dma_start3A_264, %dma_start3A_265] : memref<10000x64xf32, #tpu.memory_space<hbm>> -> memref<10000x64xf32, #tpu.memory_space<hbm>>
        tpu.enqueue_indirect_dma source(%dma_start3A_266 : memref<10000x64xf32, #tpu.memory_space<hbm>>) target(%dma_start3A_256 : memref<128x64xf32, #tpu.memory_space<vmem>>) offsets(%dma_start3A_259 : memref<128xi32, #tpu.memory_space<vmem>>) semaphore(%arg12 : memref<!tpu.dma_semaphore, #tpu.memory_space<semaphore_mem>>)
        %add3A_267 = arith.constant 2 : i32
        %add3A_268 = arith.addi %mul3A_103, %add3A_267 : i32
        %dma_wait3A_269 = arith.constant 256 : i32
        %dma_wait3A_270 = arith.constant 0 : i32
        %dma_wait3A_271 = tpu.memref_slice %arg9[%dma_wait3A_269, %dma_wait3A_270] : memref<512x64xf32, #tpu.memory_space<vmem>> -> memref<128x64xf32, #tpu.memory_space<vmem>>
        %dma_wait3A_272 = arith.constant 0 : i32
        %dma_wait3A_273 = tpu.memref_slice %arg8[%add3A_268, %dma_wait3A_272] : memref<160x128xi32, #tpu.memory_space<vmem>> -> memref<1x128xi32, #tpu.memory_space<vmem>>
        %dma_wait3A_274 = tpu.memref_squeeze %dma_wait3A_273 : memref<1x128xi32, #tpu.memory_space<vmem>> -> memref<128xi32, #tpu.memory_space<vmem>>
        %dma_wait3A_275 = arith.constant 0 : i32
        %dma_wait3A_276 = arith.constant 0 : i32
        %dma_wait3A_277 = tpu.memref_slice %arg10[%dma_wait3A_275, %dma_wait3A_276] : memref<10240x64xf32, #tpu.memory_space<vmem_shared>> -> memref<10240x64xf32, #tpu.memory_space<vmem_shared>>
        tpu.wait_indirect_dma semaphore(%arg17 : memref<!tpu.dma_semaphore, #tpu.memory_space<semaphore_mem>>) src(%dma_wait3A_271 : memref<128x64xf32, #tpu.memory_space<vmem>>) dst(%dma_wait3A_277 : memref<10240x64xf32, #tpu.memory_space<vmem_shared>>)
        %add3A_278 = arith.constant 4 : i32
        %add3A_279 = arith.addi %mul3A_103, %add3A_278 : i32
        %add3A_280 = arith.constant 2 : i32
        %add3A_281 = arith.addi %add3A_279, %add3A_280 : i32
        %dma_start3A_282 = arith.constant 256 : i32
        %dma_start3A_283 = arith.constant 0 : i32
        %dma_start3A_284 = tpu.memref_slice %arg9[%dma_start3A_282, %dma_start3A_283] : memref<512x64xf32, #tpu.memory_space<vmem>> -> memref<128x64xf32, #tpu.memory_space<vmem>>
        %dma_start3A_285 = arith.constant 0 : i32
        %dma_start3A_286 = tpu.memref_slice %arg7[%add3A_281, %dma_start3A_285] : memref<160x128xi32, #tpu.memory_space<vmem>> -> memref<1x128xi32, #tpu.memory_space<vmem>>
        %dma_start3A_287 = tpu.memref_squeeze %dma_start3A_286 : memref<1x128xi32, #tpu.memory_space<vmem>> -> memref<128xi32, #tpu.memory_space<vmem>>
        %dma_start3A_288 = arith.constant 0 : i32
        %dma_start3A_289 = arith.constant 0 : i32
        %dma_start3A_290 = tpu.memref_slice %arg2[%arg0, %dma_start3A_288, %dma_start3A_289] : memref<2x10000x64xf32, #tpu.memory_space<hbm>> -> memref<1x10000x64xf32, #tpu.memory_space<hbm>>
        %dma_start3A_291 = tpu.memref_squeeze %dma_start3A_290 : memref<1x10000x64xf32, #tpu.memory_space<hbm>> -> memref<10000x64xf32, #tpu.memory_space<hbm>>
        %dma_start3A_292 = arith.constant 0 : i32
        %dma_start3A_293 = arith.constant 0 : i32
        %dma_start3A_294 = tpu.memref_slice %dma_start3A_291[%dma_start3A_292, %dma_start3A_293] : memref<10000x64xf32, #tpu.memory_space<hbm>> -> memref<10000x64xf32, #tpu.memory_space<hbm>>
        tpu.enqueue_indirect_dma source(%dma_start3A_294 : memref<10000x64xf32, #tpu.memory_space<hbm>>) target(%dma_start3A_284 : memref<128x64xf32, #tpu.memory_space<vmem>>) offsets(%dma_start3A_287 : memref<128xi32, #tpu.memory_space<vmem>>) semaphore(%arg13 : memref<!tpu.dma_semaphore, #tpu.memory_space<semaphore_mem>>)
        %add3A_295 = arith.constant 3 : i32
        %add3A_296 = arith.addi %mul3A_103, %add3A_295 : i32
        %dma_wait3A_297 = arith.constant 384 : i32
        %dma_wait3A_298 = arith.constant 0 : i32
        %dma_wait3A_299 = tpu.memref_slice %arg9[%dma_wait3A_297, %dma_wait3A_298] : memref<512x64xf32, #tpu.memory_space<vmem>> -> memref<128x64xf32, #tpu.memory_space<vmem>>
        %dma_wait3A_300 = arith.constant 0 : i32
        %dma_wait3A_301 = tpu.memref_slice %arg8[%add3A_296, %dma_wait3A_300] : memref<160x128xi32, #tpu.memory_space<vmem>> -> memref<1x128xi32, #tpu.memory_space<vmem>>
        %dma_wait3A_302 = tpu.memref_squeeze %dma_wait3A_301 : memref<1x128xi32, #tpu.memory_space<vmem>> -> memref<128xi32, #tpu.memory_space<vmem>>
        %dma_wait3A_303 = arith.constant 0 : i32
        %dma_wait3A_304 = arith.constant 0 : i32
        %dma_wait3A_305 = tpu.memref_slice %arg10[%dma_wait3A_303, %dma_wait3A_304] : memref<10240x64xf32, #tpu.memory_space<vmem_shared>> -> memref<10240x64xf32, #tpu.memory_space<vmem_shared>>
        tpu.wait_indirect_dma semaphore(%arg18 : memref<!tpu.dma_semaphore, #tpu.memory_space<semaphore_mem>>) src(%dma_wait3A_299 : memref<128x64xf32, #tpu.memory_space<vmem>>) dst(%dma_wait3A_305 : memref<10240x64xf32, #tpu.memory_space<vmem_shared>>)
        %add3A_306 = arith.constant 4 : i32
        %add3A_307 = arith.addi %mul3A_103, %add3A_306 : i32
        %add3A_308 = arith.constant 3 : i32
        %add3A_309 = arith.addi %add3A_307, %add3A_308 : i32
        %dma_start3A_310 = arith.constant 384 : i32
        %dma_start3A_311 = arith.constant 0 : i32
        %dma_start3A_312 = tpu.memref_slice %arg9[%dma_start3A_310, %dma_start3A_311] : memref<512x64xf32, #tpu.memory_space<vmem>> -> memref<128x64xf32, #tpu.memory_space<vmem>>
        %dma_start3A_313 = arith.constant 0 : i32
        %dma_start3A_314 = tpu.memref_slice %arg7[%add3A_309, %dma_start3A_313] : memref<160x128xi32, #tpu.memory_space<vmem>> -> memref<1x128xi32, #tpu.memory_space<vmem>>
        %dma_start3A_315 = tpu.memref_squeeze %dma_start3A_314 : memref<1x128xi32, #tpu.memory_space<vmem>> -> memref<128xi32, #tpu.memory_space<vmem>>
        %dma_start3A_316 = arith.constant 0 : i32
        %dma_start3A_317 = arith.constant 0 : i32
        %dma_start3A_318 = tpu.memref_slice %arg2[%arg0, %dma_start3A_316, %dma_start3A_317] : memref<2x10000x64xf32, #tpu.memory_space<hbm>> -> memref<1x10000x64xf32, #tpu.memory_space<hbm>>
        %dma_start3A_319 = tpu.memref_squeeze %dma_start3A_318 : memref<1x10000x64xf32, #tpu.memory_space<hbm>> -> memref<10000x64xf32, #tpu.memory_space<hbm>>
        %dma_start3A_320 = arith.constant 0 : i32
        %dma_start3A_321 = arith.constant 0 : i32
        %dma_start3A_322 = tpu.memref_slice %dma_start3A_319[%dma_start3A_320, %dma_start3A_321] : memref<10000x64xf32, #tpu.memory_space<hbm>> -> memref<10000x64xf32, #tpu.memory_space<hbm>>
        tpu.enqueue_indirect_dma source(%dma_start3A_322 : memref<10000x64xf32, #tpu.memory_space<hbm>>) target(%dma_start3A_312 : memref<128x64xf32, #tpu.memory_space<vmem>>) offsets(%dma_start3A_315 : memref<128xi32, #tpu.memory_space<vmem>>) semaphore(%arg14 : memref<!tpu.dma_semaphore, #tpu.memory_space<semaphore_mem>>)
      } else {
      }
    }
    %scan3A_60 = arith.constant 40 : i32
    %dma_wait3A = arith.constant 0 : i32
    %dma_wait3A_61 = arith.constant 0 : i32
    %dma_wait3A_62 = arith.constant 0 : i32
    %dma_wait3A_63 = tpu.memref_slice %arg9[%dma_wait3A_61, %dma_wait3A_62] : memref<512x64xf32, #tpu.memory_space<vmem>> -> memref<128x64xf32, #tpu.memory_space<vmem>>
    %dma_wait3A_64 = arith.constant 0 : i32
    %dma_wait3A_65 = tpu.memref_slice %arg8[%dma_wait3A, %dma_wait3A_64] : memref<160x128xi32, #tpu.memory_space<vmem>> -> memref<1x128xi32, #tpu.memory_space<vmem>>
    %dma_wait3A_66 = tpu.memref_squeeze %dma_wait3A_65 : memref<1x128xi32, #tpu.memory_space<vmem>> -> memref<128xi32, #tpu.memory_space<vmem>>
    %dma_wait3A_67 = arith.constant 0 : i32
    %dma_wait3A_68 = arith.constant 0 : i32
    %dma_wait3A_69 = tpu.memref_slice %arg10[%dma_wait3A_67, %dma_wait3A_68] : memref<10240x64xf32, #tpu.memory_space<vmem_shared>> -> memref<10240x64xf32, #tpu.memory_space<vmem_shared>>
    tpu.wait_indirect_dma semaphore(%arg15 : memref<!tpu.dma_semaphore, #tpu.memory_space<semaphore_mem>>) src(%dma_wait3A_63 : memref<128x64xf32, #tpu.memory_space<vmem>>) dst(%dma_wait3A_69 : memref<10240x64xf32, #tpu.memory_space<vmem_shared>>)
    %dma_wait3A_70 = arith.constant 1 : i32
    %dma_wait3A_71 = arith.constant 128 : i32
    %dma_wait3A_72 = arith.constant 0 : i32
    %dma_wait3A_73 = tpu.memref_slice %arg9[%dma_wait3A_71, %dma_wait3A_72] : memref<512x64xf32, #tpu.memory_space<vmem>> -> memref<128x64xf32, #tpu.memory_space<vmem>>
    %dma_wait3A_74 = arith.constant 0 : i32
    %dma_wait3A_75 = tpu.memref_slice %arg8[%dma_wait3A_70, %dma_wait3A_74] : memref<160x128xi32, #tpu.memory_space<vmem>> -> memref<1x128xi32, #tpu.memory_space<vmem>>
    %dma_wait3A_76 = tpu.memref_squeeze %dma_wait3A_75 : memref<1x128xi32, #tpu.memory_space<vmem>> -> memref<128xi32, #tpu.memory_space<vmem>>
    %dma_wait3A_77 = arith.constant 0 : i32
    %dma_wait3A_78 = arith.constant 0 : i32
    %dma_wait3A_79 = tpu.memref_slice %arg10[%dma_wait3A_77, %dma_wait3A_78] : memref<10240x64xf32, #tpu.memory_space<vmem_shared>> -> memref<10240x64xf32, #tpu.memory_space<vmem_shared>>
    tpu.wait_indirect_dma semaphore(%arg16 : memref<!tpu.dma_semaphore, #tpu.memory_space<semaphore_mem>>) src(%dma_wait3A_73 : memref<128x64xf32, #tpu.memory_space<vmem>>) dst(%dma_wait3A_79 : memref<10240x64xf32, #tpu.memory_space<vmem_shared>>)
    %dma_wait3A_80 = arith.constant 2 : i32
    %dma_wait3A_81 = arith.constant 256 : i32
    %dma_wait3A_82 = arith.constant 0 : i32
    %dma_wait3A_83 = tpu.memref_slice %arg9[%dma_wait3A_81, %dma_wait3A_82] : memref<512x64xf32, #tpu.memory_space<vmem>> -> memref<128x64xf32, #tpu.memory_space<vmem>>
    %dma_wait3A_84 = arith.constant 0 : i32
    %dma_wait3A_85 = tpu.memref_slice %arg8[%dma_wait3A_80, %dma_wait3A_84] : memref<160x128xi32, #tpu.memory_space<vmem>> -> memref<1x128xi32, #tpu.memory_space<vmem>>
    %dma_wait3A_86 = tpu.memref_squeeze %dma_wait3A_85 : memref<1x128xi32, #tpu.memory_space<vmem>> -> memref<128xi32, #tpu.memory_space<vmem>>
    %dma_wait3A_87 = arith.constant 0 : i32
    %dma_wait3A_88 = arith.constant 0 : i32
    %dma_wait3A_89 = tpu.memref_slice %arg10[%dma_wait3A_87, %dma_wait3A_88] : memref<10240x64xf32, #tpu.memory_space<vmem_shared>> -> memref<10240x64xf32, #tpu.memory_space<vmem_shared>>
    tpu.wait_indirect_dma semaphore(%arg17 : memref<!tpu.dma_semaphore, #tpu.memory_space<semaphore_mem>>) src(%dma_wait3A_83 : memref<128x64xf32, #tpu.memory_space<vmem>>) dst(%dma_wait3A_89 : memref<10240x64xf32, #tpu.memory_space<vmem_shared>>)
    %dma_wait3A_90 = arith.constant 3 : i32
    %dma_wait3A_91 = arith.constant 384 : i32
    %dma_wait3A_92 = arith.constant 0 : i32
    %dma_wait3A_93 = tpu.memref_slice %arg9[%dma_wait3A_91, %dma_wait3A_92] : memref<512x64xf32, #tpu.memory_space<vmem>> -> memref<128x64xf32, #tpu.memory_space<vmem>>
    %dma_wait3A_94 = arith.constant 0 : i32
    %dma_wait3A_95 = tpu.memref_slice %arg8[%dma_wait3A_90, %dma_wait3A_94] : memref<160x128xi32, #tpu.memory_space<vmem>> -> memref<1x128xi32, #tpu.memory_space<vmem>>
    %dma_wait3A_96 = tpu.memref_squeeze %dma_wait3A_95 : memref<1x128xi32, #tpu.memory_space<vmem>> -> memref<128xi32, #tpu.memory_space<vmem>>
    %dma_wait3A_97 = arith.constant 0 : i32
    %dma_wait3A_98 = arith.constant 0 : i32
    %dma_wait3A_99 = tpu.memref_slice %arg10[%dma_wait3A_97, %dma_wait3A_98] : memref<10240x64xf32, #tpu.memory_space<vmem_shared>> -> memref<10240x64xf32, #tpu.memory_space<vmem_shared>>
    tpu.wait_indirect_dma semaphore(%arg18 : memref<!tpu.dma_semaphore, #tpu.memory_space<semaphore_mem>>) src(%dma_wait3A_93 : memref<128x64xf32, #tpu.memory_space<vmem>>) dst(%dma_wait3A_99 : memref<10240x64xf32, #tpu.memory_space<vmem_shared>>)
    %barrier3A_100 = arith.constant 0 : index
    tpu.barrier barrier_id(%barrier3A_100)
    "tpu.region"() ({
      %run_scoped3A = tpu.sem_alloc : memref<!tpu.dma_semaphore, #tpu.memory_space<semaphore_mem>>
      %dma_start3A_101 = arith.constant 0 : i32
      %dma_start3A_102 = tpu.memref_slice %arg6[%arg0, %mul3A_0, %dma_start3A_101] : memref<2x10240x64xf32, #tpu.memory_space<hbm>> -> memref<1x640x64xf32, #tpu.memory_space<hbm>>
      %dma_start3A_103 = tpu.memref_squeeze %dma_start3A_102 : memref<1x640x64xf32, #tpu.memory_space<hbm>> -> memref<640x64xf32, #tpu.memory_space<hbm>>
      %dma_start3A_104 = arith.constant 0 : i32
      %dma_start3A_105 = tpu.memref_slice %arg10[%mul3A_0, %dma_start3A_104] : memref<10240x64xf32, #tpu.memory_space<vmem_shared>> -> memref<640x64xf32, #tpu.memory_space<vmem_shared>>
      tpu.enqueue_dma source(%dma_start3A_105 : memref<640x64xf32, #tpu.memory_space<vmem_shared>>) target(%dma_start3A_103 : memref<640x64xf32, #tpu.memory_space<hbm>>) target_semaphore(%run_scoped3A : memref<!tpu.dma_semaphore, #tpu.memory_space<semaphore_mem>>)
      %dma_wait3A_106 = arith.constant 0 : i32
      %dma_wait3A_107 = tpu.memref_slice %arg6[%arg0, %mul3A_0, %dma_wait3A_106] : memref<2x10240x64xf32, #tpu.memory_space<hbm>> -> memref<1x640x64xf32, #tpu.memory_space<hbm>>
      %dma_wait3A_108 = tpu.memref_squeeze %dma_wait3A_107 : memref<1x640x64xf32, #tpu.memory_space<hbm>> -> memref<640x64xf32, #tpu.memory_space<hbm>>
      %dma_wait3A_109 = arith.constant 0 : i32
      %dma_wait3A_110 = tpu.memref_slice %arg10[%mul3A_0, %dma_wait3A_109] : memref<10240x64xf32, #tpu.memory_space<vmem_shared>> -> memref<640x64xf32, #tpu.memory_space<vmem_shared>>
      tpu.wait_dma2 semaphore(%run_scoped3A : memref<!tpu.dma_semaphore, #tpu.memory_space<semaphore_mem>>) src(%dma_wait3A_110 : memref<640x64xf32, #tpu.memory_space<vmem_shared>>) dst(%dma_wait3A_108 : memref<640x64xf32, #tpu.memory_space<hbm>>)
      tpu.yield
    }) : () -> ()
    return
  }
}

module attributes {stable_mosaic.version = 14 : i64} {
  func.func @_mm_body(%arg0: i32, %arg1: memref<1000x128xf32, #tpu.memory_space<vmem>>, %arg2: memref<128x128xf32, #tpu.memory_space<vmem>>, %arg3: memref<1000x128xf32, #tpu.memory_space<vmem>>) attributes {dimension_semantics = [#tpu.dimension_semantics<arbitrary>], iteration_bounds = array<i64: 10>, scalar_prefetch = 0 : i64, scratch_operands = 0 : i64, tpu.core_type = #tpu.core_type<tc>, window_params = [{transform_indices = @transform_0, window_bounds = array<i64: 1000, 128>}, {pipeline_mode = #tpu.pipeline_mode<synchronous>, transform_indices = @transform_1, window_bounds = array<i64: 128, 128>}, {transform_indices = @transform_2, window_bounds = array<i64: 1000, 128>}]} {
    %get3A = arith.constant 0 : index
    %get3A_0 = arith.constant 0 : index
    %get3A_1 = vector.load %arg1[%get3A, %get3A_0] : memref<1000x128xf32, #tpu.memory_space<vmem>>, vector<1000x128xf32>
    %get3A_2 = arith.constant 0 : index
    %get3A_3 = arith.constant 0 : index
    %get3A_4 = vector.load %arg2[%get3A_2, %get3A_3] : memref<128x128xf32, #tpu.memory_space<vmem>>, vector<128x128xf32>
    %dot_general3A = arith.constant dense<0.000000e+00> : vector<1000x128xf32>
    %dot_general3A_5 = tpu.matmul %get3A_1, %get3A_4, %dot_general3A {dimension_numbers = #tpu.dot_dimension_numbers<[1], [0], [0], [1], [0, 0, 1, 1], [], []>, transpose_lhs_hint = false} : vector<1000x128xf32>, vector<128x128xf32>, vector<1000x128xf32> -> vector<1000x128xf32>
    %swap3A = arith.constant 0 : index
    %swap3A_6 = arith.constant 0 : index
    %swap3A_7 = vector.load %arg3[%swap3A, %swap3A_6] : memref<1000x128xf32, #tpu.memory_space<vmem>>, vector<1000x128xf32>
    tpu.vector_store %arg3[%swap3A, %swap3A_6], %dot_general3A_5 {strides = array<i32>} : memref<1000x128xf32, #tpu.memory_space<vmem>>, vector<1000x128xf32>,
    return
  }
  func.func @transform_0(%arg0: i32) -> (i32, i32) {
    %c0_i32 = arith.constant 0 : i32
    %c0_i32_0 = arith.constant 0 : i32
    return %arg0, %c0_i32 : i32, i32
  }
  func.func @transform_1(%arg0: i32) -> (i32, i32) {
    %c0_i32 = arith.constant 0 : i32
    %c0_i32_0 = arith.constant 0 : i32
    %c0_i32_1 = arith.constant 0 : i32
    return %c0_i32, %c0_i32_0 : i32, i32
  }
  func.func @transform_2(%arg0: i32) -> (i32, i32) {
    %c0_i32 = arith.constant 0 : i32
    %c0_i32_0 = arith.constant 0 : i32
    return %arg0, %c0_i32 : i32, i32
  }
}

module attributes {stable_mosaic.version = 14 : i64} {
  func.func @_scale_body(%arg0: i32, %arg1: memref<1000x128xf32, #tpu.memory_space<vmem>>, %arg2: memref<1000x16xf32, #tpu.memory_space<vmem>>, %arg3: memref<1000x16xf32, #tpu.memory_space<vmem>>, %arg4: memref<1000x128xf32, #tpu.memory_space<vmem>>) attributes {dimension_semantics = [#tpu.dimension_semantics<arbitrary>], iteration_bounds = array<i64: 10>, scalar_prefetch = 0 : i64, scratch_operands = 0 : i64, tpu.core_type = #tpu.core_type<tc>, window_params = [{transform_indices = @transform_0, window_bounds = array<i64: 1000, 128>}, {transform_indices = @transform_1, window_bounds = array<i64: 1000, 16>}, {transform_indices = @transform_2, window_bounds = array<i64: 1000, 16>}, {transform_indices = @transform_3, window_bounds = array<i64: 1000, 128>}]} {
    %get3A = arith.constant 0 : index
    %get3A_0 = arith.constant 0 : index
    %get3A_1 = vector.load %arg1[%get3A, %get3A_0] : memref<1000x128xf32, #tpu.memory_space<vmem>>, vector<1000x128xf32>
    %get3A_2 = arith.constant 0 : index
    %get3A_3 = arith.constant 0 : index
    %get3A_4 = vector.load %arg2[%get3A_2, %get3A_3] : memref<1000x16xf32, #tpu.memory_space<vmem>>, vector<1000x1xf32>
    %get3A_5 = arith.constant 0 : index
    %get3A_6 = arith.constant 0 : index
    %get3A_7 = vector.load %arg3[%get3A_5, %get3A_6] : memref<1000x16xf32, #tpu.memory_space<vmem>>, vector<1000x1xf32>
    %add3A = arith.addf %get3A_4, %get3A_7 : vector<1000x1xf32>
    %add3A_8 = arith.constant 1.000000e+00 : f32
    %add3A_9 = vector.broadcast %add3A_8 : f32 to vector<1000x1xf32>
    %add3A_10 = arith.addf %add3A, %add3A_9 : vector<1000x1xf32>
    %rsqrt3A = math.rsqrt %add3A_10 : vector<1000x1xf32>
    %mul3A = vector.broadcast %rsqrt3A : vector<1000x1xf32> to vector<1000x128xf32>
    %mul3A_11 = arith.mulf %get3A_1, %mul3A : vector<1000x128xf32>
    %swap3A = arith.constant 0 : index
    %swap3A_12 = arith.constant 0 : index
    %swap3A_13 = vector.load %arg4[%swap3A, %swap3A_12] : memref<1000x128xf32, #tpu.memory_space<vmem>>, vector<1000x128xf32>
    tpu.vector_store %arg4[%swap3A, %swap3A_12], %mul3A_11 {strides = array<i32>} : memref<1000x128xf32, #tpu.memory_space<vmem>>, vector<1000x128xf32>,
    return
  }
  func.func @transform_0(%arg0: i32) -> (i32, i32) {
    %c0_i32 = arith.constant 0 : i32
    %c0_i32_0 = arith.constant 0 : i32
    return %arg0, %c0_i32 : i32, i32
  }
  func.func @transform_1(%arg0: i32) -> (i32, i32) {
    %c0_i32 = arith.constant 0 : i32
    %c0_i32_0 = arith.constant 0 : i32
    return %arg0, %c0_i32 : i32, i32
  }
  func.func @transform_2(%arg0: i32) -> (i32, i32) {
    %c0_i32 = arith.constant 0 : i32
    %c0_i32_0 = arith.constant 0 : i32
    return %arg0, %c0_i32 : i32, i32
  }
  func.func @transform_3(%arg0: i32) -> (i32, i32) {
    %c0_i32 = arith.constant 0 : i32
    %c0_i32_0 = arith.constant 0 : i32
    return %arg0, %c0_i32 : i32, i32
  }
}

module attributes {stable_mosaic.version = 14 : i64} {
  func.func @_comb_body(%arg0: i32, %arg1: memref<1x1000x64xf32, #tpu.memory_space<vmem>>, %arg2: memref<1x1000x64xf32, #tpu.memory_space<vmem>>, %arg3: memref<1000x128xf32, #tpu.memory_space<vmem>>, %arg4: memref<1000x16xf32, #tpu.memory_space<vmem>>, %arg5: memref<1000x16xf32, #tpu.memory_space<vmem>>, %arg6: memref<1x128xf32, #tpu.memory_space<vmem>>, %arg7: memref<128x64xf32, #tpu.memory_space<vmem>>, %arg8: memref<1000x64xf32, #tpu.memory_space<vmem>>) attributes {dimension_semantics = [#tpu.dimension_semantics<arbitrary>], iteration_bounds = array<i64: 10>, scalar_prefetch = 0 : i64, scratch_operands = 0 : i64, tpu.core_type = #tpu.core_type<tc>, window_params = [{transform_indices = @transform_0, window_bounds = array<i64: 1, 1000, 64>}, {transform_indices = @transform_1, window_bounds = array<i64: 1, 1000, 64>}, {transform_indices = @transform_2, window_bounds = array<i64: 1000, 128>}, {transform_indices = @transform_3, window_bounds = array<i64: 1000, 16>}, {transform_indices = @transform_4, window_bounds = array<i64: 1000, 16>}, {pipeline_mode = #tpu.pipeline_mode<synchronous>, transform_indices = @transform_5, window_bounds = array<i64: 1, 128>}, {pipeline_mode = #tpu.pipeline_mode<synchronous>, transform_indices = @transform_6, window_bounds = array<i64: 128, 64>}, {transform_indices = @transform_7, window_bounds = array<i64: 1000, 64>}]} {
    %get3A = arith.constant 0 : index
    %get3A_0 = arith.constant 0 : index
    %get3A_1 = vector.load %arg4[%get3A, %get3A_0] : memref<1000x16xf32, #tpu.memory_space<vmem>>, vector<1000x1xf32>
    %get3A_2 = arith.constant 0 : index
    %get3A_3 = arith.constant 0 : index
    %get3A_4 = vector.load %arg5[%get3A_2, %get3A_3] : memref<1000x16xf32, #tpu.memory_space<vmem>>, vector<1000x1xf32>
    %add3A = arith.addf %get3A_1, %get3A_4 : vector<1000x1xf32>
    %add3A_5 = arith.constant 1.000000e+00 : f32
    %add3A_6 = vector.broadcast %add3A_5 : f32 to vector<1000x1xf32>
    %add3A_7 = arith.addf %add3A, %add3A_6 : vector<1000x1xf32>
    %rsqrt3A = math.rsqrt %add3A_7 : vector<1000x1xf32>
    %get3A_8 = arith.constant 0 : index
    %get3A_9 = arith.constant 0 : index
    %get3A_10 = arith.constant 0 : index
    %get3A_11 = vector.load %arg1[%get3A_8, %get3A_9, %get3A_10] : memref<1x1000x64xf32, #tpu.memory_space<vmem>>, vector<1x1000x64xf32>
    %get3A_12 = vector.shape_cast %get3A_11 : vector<1x1000x64xf32> to vector<1000x64xf32>
    %get3A_13 = arith.constant 0 : index
    %get3A_14 = arith.constant 0 : index
    %get3A_15 = arith.constant 0 : index
    %get3A_16 = vector.load %arg2[%get3A_13, %get3A_14, %get3A_15] : memref<1x1000x64xf32, #tpu.memory_space<vmem>>, vector<1x1000x64xf32>
    %get3A_17 = vector.shape_cast %get3A_16 : vector<1x1000x64xf32> to vector<1000x64xf32>
    %concatenate3A = tpu.concatenate %get3A_12, %get3A_17 in 1 : vector<1000x64xf32>, vector<1000x64xf32> -> vector<1000x128xf32>
    %get3A_18 = arith.constant 0 : index
    %get3A_19 = arith.constant 0 : index
    %get3A_20 = vector.load %arg3[%get3A_18, %get3A_19] : memref<1000x128xf32, #tpu.memory_space<vmem>>, vector<1000x128xf32>
    %add3A_21 = arith.addf %concatenate3A, %get3A_20 : vector<1000x128xf32>
    %mul3A = vector.broadcast %rsqrt3A : vector<1000x1xf32> to vector<1000x128xf32>
    %mul3A_22 = arith.mulf %mul3A, %add3A_21 : vector<1000x128xf32>
    %get3A_23 = arith.constant 0 : index
    %get3A_24 = arith.constant 0 : index
    %get3A_25 = vector.load %arg6[%get3A_23, %get3A_24] : memref<1x128xf32, #tpu.memory_space<vmem>>, vector<1x128xf32>
    %add3A_26 = vector.broadcast %get3A_25 : vector<1x128xf32> to vector<1000x128xf32>
    %add3A_27 = arith.addf %mul3A_22, %add3A_26 : vector<1000x128xf32>
    %max3A = arith.constant 0.000000e+00 : f32
    %max3A_28 = vector.broadcast %max3A : f32 to vector<1000x128xf32>
    %max3A_29 = arith.maximumf %add3A_27, %max3A_28 : vector<1000x128xf32>
    %get3A_30 = arith.constant 0 : index
    %get3A_31 = arith.constant 0 : index
    %get3A_32 = vector.load %arg7[%get3A_30, %get3A_31] : memref<128x64xf32, #tpu.memory_space<vmem>>, vector<128x64xf32>
    %dot_general3A = arith.constant dense<0.000000e+00> : vector<1000x64xf32>
    %dot_general3A_33 = tpu.matmul %max3A_29, %get3A_32, %dot_general3A {dimension_numbers = #tpu.dot_dimension_numbers<[1], [0], [0], [1], [0, 0, 1, 1], [], []>, transpose_lhs_hint = false} : vector<1000x128xf32>, vector<128x64xf32>, vector<1000x64xf32> -> vector<1000x64xf32>
    %mul3A_34 = vector.broadcast %rsqrt3A : vector<1000x1xf32> to vector<1000x64xf32>
    %mul3A_35 = arith.mulf %dot_general3A_33, %mul3A_34 : vector<1000x64xf32>
    %swap3A = arith.constant 0 : index
    %swap3A_36 = arith.constant 0 : index
    %swap3A_37 = vector.load %arg8[%swap3A, %swap3A_36] : memref<1000x64xf32, #tpu.memory_space<vmem>>, vector<1000x64xf32>
    tpu.vector_store %arg8[%swap3A, %swap3A_36], %mul3A_35 {strides = array<i32>} : memref<1000x64xf32, #tpu.memory_space<vmem>>, vector<1000x64xf32>,
    return
  }
  func.func @transform_0(%arg0: i32) -> (i32, i32, i32) {
    %c0_i32 = arith.constant 0 : i32
    %c0_i32_0 = arith.constant 0 : i32
    %c0_i32_1 = arith.constant 0 : i32
    return %c0_i32, %arg0, %c0_i32_0 : i32, i32, i32
  }
  func.func @transform_1(%arg0: i32) -> (i32, i32, i32) {
    %c0_i32 = arith.constant 0 : i32
    %c0_i32_0 = arith.constant 0 : i32
    %c0_i32_1 = arith.constant 0 : i32
    return %c0_i32, %arg0, %c0_i32_0 : i32, i32, i32
  }
  func.func @transform_2(%arg0: i32) -> (i32, i32) {
    %c0_i32 = arith.constant 0 : i32
    %c0_i32_0 = arith.constant 0 : i32
    return %arg0, %c0_i32 : i32, i32
  }
  func.func @transform_3(%arg0: i32) -> (i32, i32) {
    %c0_i32 = arith.constant 0 : i32
    %c0_i32_0 = arith.constant 0 : i32
    return %arg0, %c0_i32 : i32, i32
  }
  func.func @transform_4(%arg0: i32) -> (i32, i32) {
    %c0_i32 = arith.constant 0 : i32
    %c0_i32_0 = arith.constant 0 : i32
    return %arg0, %c0_i32 : i32, i32
  }
  func.func @transform_5(%arg0: i32) -> (i32, i32) {
    %c0_i32 = arith.constant 0 : i32
    %c0_i32_0 = arith.constant 0 : i32
    %c0_i32_1 = arith.constant 0 : i32
    return %c0_i32, %c0_i32_0 : i32, i32
  }
  func.func @transform_6(%arg0: i32) -> (i32, i32) {
    %c0_i32 = arith.constant 0 : i32
    %c0_i32_0 = arith.constant 0 : i32
    %c0_i32_1 = arith.constant 0 : i32
    return %c0_i32, %c0_i32_0 : i32, i32
  }
  func.func @transform_7(%arg0: i32) -> (i32, i32) {
    %c0_i32 = arith.constant 0 : i32
    %c0_i32_0 = arith.constant 0 : i32
    return %arg0, %c0_i32 : i32, i32
  }
}

module attributes {stable_mosaic.version = 14 : i64} {
  func.func @_final_body(%arg0: i32, %arg1: memref<1000x64xf32, #tpu.memory_space<vmem>>, %arg2: memref<1000x64xf32, #tpu.memory_space<vmem>>, %arg3: memref<1000x64xf32, #tpu.memory_space<vmem>>, %arg4: memref<1000x16xf32, #tpu.memory_space<vmem>>, %arg5: memref<1000x16xf32, #tpu.memory_space<vmem>>, %arg6: memref<1x64xf32, #tpu.memory_space<vmem>>, %arg7: memref<1x64xf32, #tpu.memory_space<vmem>>, %arg8: memref<1x1xf32, #tpu.memory_space<vmem>>, %arg9: memref<1000x2xf32, #tpu.memory_space<vmem>>) attributes {dimension_semantics = [#tpu.dimension_semantics<arbitrary>], iteration_bounds = array<i64: 10>, scalar_prefetch = 0 : i64, scratch_operands = 0 : i64, tpu.core_type = #tpu.core_type<tc>, window_params = [{transform_indices = @transform_0, window_bounds = array<i64: 1000, 64>}, {transform_indices = @transform_1, window_bounds = array<i64: 1000, 64>}, {transform_indices = @transform_2, window_bounds = array<i64: 1000, 64>}, {transform_indices = @transform_3, window_bounds = array<i64: 1000, 16>}, {transform_indices = @transform_4, window_bounds = array<i64: 1000, 16>}, {pipeline_mode = #tpu.pipeline_mode<synchronous>, transform_indices = @transform_5, window_bounds = array<i64: 1, 64>}, {pipeline_mode = #tpu.pipeline_mode<synchronous>, transform_indices = @transform_6, window_bounds = array<i64: 1, 64>}, {pipeline_mode = #tpu.pipeline_mode<synchronous>, transform_indices = @transform_7, window_bounds = array<i64: 1, 1>}, {transform_indices = @transform_8, window_bounds = array<i64: 1000, 2>}]} {
    %get3A = arith.constant 0 : index
    %get3A_0 = arith.constant 0 : index
    %get3A_1 = vector.load %arg4[%get3A, %get3A_0] : memref<1000x16xf32, #tpu.memory_space<vmem>>, vector<1000x1xf32>
    %get3A_2 = arith.constant 0 : index
    %get3A_3 = arith.constant 0 : index
    %get3A_4 = vector.load %arg5[%get3A_2, %get3A_3] : memref<1000x16xf32, #tpu.memory_space<vmem>>, vector<1000x1xf32>
    %add3A = arith.addf %get3A_1, %get3A_4 : vector<1000x1xf32>
    %add3A_5 = arith.constant 1.000000e+00 : f32
    %add3A_6 = vector.broadcast %add3A_5 : f32 to vector<1000x1xf32>
    %add3A_7 = arith.addf %add3A, %add3A_6 : vector<1000x1xf32>
    %rsqrt3A = math.rsqrt %add3A_7 : vector<1000x1xf32>
    %get3A_8 = arith.constant 0 : index
    %get3A_9 = arith.constant 0 : index
    %get3A_10 = vector.load %arg1[%get3A_8, %get3A_9] : memref<1000x64xf32, #tpu.memory_space<vmem>>, vector<1000x64xf32>
    %get3A_11 = arith.constant 0 : index
    %get3A_12 = arith.constant 0 : index
    %get3A_13 = vector.load %arg2[%get3A_11, %get3A_12] : memref<1000x64xf32, #tpu.memory_space<vmem>>, vector<1000x64xf32>
    %add3A_14 = arith.addf %get3A_10, %get3A_13 : vector<1000x64xf32>
    %get3A_15 = arith.constant 0 : index
    %get3A_16 = arith.constant 0 : index
    %get3A_17 = vector.load %arg3[%get3A_15, %get3A_16] : memref<1000x64xf32, #tpu.memory_space<vmem>>, vector<1000x64xf32>
    %add3A_18 = arith.addf %add3A_14, %get3A_17 : vector<1000x64xf32>
    %mul3A = vector.broadcast %rsqrt3A : vector<1000x1xf32> to vector<1000x64xf32>
    %mul3A_19 = arith.mulf %mul3A, %add3A_18 : vector<1000x64xf32>
    %get3A_20 = arith.constant 0 : index
    %get3A_21 = arith.constant 0 : index
    %get3A_22 = vector.load %arg6[%get3A_20, %get3A_21] : memref<1x64xf32, #tpu.memory_space<vmem>>, vector<1x64xf32>
    %add3A_23 = vector.broadcast %get3A_22 : vector<1x64xf32> to vector<1000x64xf32>
    %add3A_24 = arith.addf %mul3A_19, %add3A_23 : vector<1000x64xf32>
    %max3A = arith.constant 0.000000e+00 : f32
    %max3A_25 = vector.broadcast %max3A : f32 to vector<1000x64xf32>
    %max3A_26 = arith.maximumf %add3A_24, %max3A_25 : vector<1000x64xf32>
    %get3A_27 = arith.constant 0 : index
    %get3A_28 = arith.constant 0 : index
    %get3A_29 = vector.load %arg7[%get3A_27, %get3A_28] : memref<1x64xf32, #tpu.memory_space<vmem>>, vector<1x64xf32>
    %mul3A_30 = vector.broadcast %get3A_29 : vector<1x64xf32> to vector<1000x64xf32>
    %mul3A_31 = arith.mulf %max3A_26, %mul3A_30 : vector<1000x64xf32>
    %reduce_sum3A = arith.constant dense<0.000000e+00> : vector<1000xf32>
    %reduce_sum3A_32 = vector.multi_reduction <add>, %mul3A_31, %reduce_sum3A [1] : vector<1000x64xf32> to vector<1000xf32>
    %broadcast_in_dim3A = vector.shape_cast %reduce_sum3A_32 : vector<1000xf32> to vector<1000x1xf32>
    %get3A_33 = arith.constant 0 : index
    %get3A_34 = arith.constant 0 : index
    %get3A_35 = vector.load %arg8[%get3A_33, %get3A_34] : memref<1x1xf32, #tpu.memory_space<vmem>>, vector<1x1xf32>
    %get3A_36 = vector.extract %get3A_35[0, 0] : f32 from vector<1x1xf32>
    %add3A_37 = vector.broadcast %get3A_36 : f32 to vector<1000x1xf32>
    %add3A_38 = arith.addf %broadcast_in_dim3A, %add3A_37 : vector<1000x1xf32>
    %neg3A = arith.constant 0.000000e+00 : f32
    %neg3A_39 = vector.broadcast %neg3A : f32 to vector<1000x1xf32>
    %neg3A_40 = arith.subf %neg3A_39, %add3A_38 : vector<1000x1xf32>
    %concatenate3A = tpu.concatenate %neg3A_40, %add3A_38 in 1 : vector<1000x1xf32>, vector<1000x1xf32> -> vector<1000x2xf32>
    %swap3A = arith.constant 0 : index
    %swap3A_41 = arith.constant 0 : index
    %swap3A_42 = vector.load %arg9[%swap3A, %swap3A_41] : memref<1000x2xf32, #tpu.memory_space<vmem>>, vector<1000x2xf32>
    tpu.vector_store %arg9[%swap3A, %swap3A_41], %concatenate3A {strides = array<i32>} : memref<1000x2xf32, #tpu.memory_space<vmem>>, vector<1000x2xf32>,
    return
  }
  func.func @transform_0(%arg0: i32) -> (i32, i32) {
    %c0_i32 = arith.constant 0 : i32
    %c0_i32_0 = arith.constant 0 : i32
    return %arg0, %c0_i32 : i32, i32
  }
  func.func @transform_1(%arg0: i32) -> (i32, i32) {
    %c0_i32 = arith.constant 0 : i32
    %c0_i32_0 = arith.constant 0 : i32
    return %arg0, %c0_i32 : i32, i32
  }
  func.func @transform_2(%arg0: i32) -> (i32, i32) {
    %c0_i32 = arith.constant 0 : i32
    %c0_i32_0 = arith.constant 0 : i32
    return %arg0, %c0_i32 : i32, i32
  }
  func.func @transform_3(%arg0: i32) -> (i32, i32) {
    %c0_i32 = arith.constant 0 : i32
    %c0_i32_0 = arith.constant 0 : i32
    return %arg0, %c0_i32 : i32, i32
  }
  func.func @transform_4(%arg0: i32) -> (i32, i32) {
    %c0_i32 = arith.constant 0 : i32
    %c0_i32_0 = arith.constant 0 : i32
    return %arg0, %c0_i32 : i32, i32
  }
  func.func @transform_5(%arg0: i32) -> (i32, i32) {
    %c0_i32 = arith.constant 0 : i32
    %c0_i32_0 = arith.constant 0 : i32
    %c0_i32_1 = arith.constant 0 : i32
    return %c0_i32, %c0_i32_0 : i32, i32
  }
  func.func @transform_6(%arg0: i32) -> (i32, i32) {
    %c0_i32 = arith.constant 0 : i32
    %c0_i32_0 = arith.constant 0 : i32
    %c0_i32_1 = arith.constant 0 : i32
    return %c0_i32, %c0_i32_0 : i32, i32
  }
  func.func @transform_7(%arg0: i32) -> (i32, i32) {
    %c0_i32 = arith.constant 0 : i32
    %c0_i32_0 = arith.constant 0 : i32
    %c0_i32_1 = arith.constant 0 : i32
    return %c0_i32, %c0_i32_0 : i32, i32
  }
  func.func @transform_8(%arg0: i32) -> (i32, i32) {
    %c0_i32 = arith.constant 0 : i32
    %c0_i32_0 = arith.constant 0 : i32
    return %arg0, %c0_i32 : i32, i32
  }
}

</mosaic_0001>

<sc_bundles>
// kernel: kernel.12.cloned.1.call-start
scs
__scs_entry_jumppad:
0x0: {  	(pc) =	sbr.rel $0x88, $3  }
0x1: {  	(tag) =	ssettag $0x0;
	lr =	simm.s32 $0x1  }
0x2: {  	[smem:$0x3F99] =	sst lr;
	_ =	strace $0xD0000000  }
0x3: {  	_ = 	snop  }
0x4: {  	_ = 	snop  }
0x5: {  	_ = 	snop  }
0x6: {  	_ = 	snop  }
0x7: {  	_ = 	snop  }
__scs_overlays_trampoline_lowered:
0x8: {  	[smem:$0x3FA8] =	sst s0  }
0x9: {  	[smem:$0x3FA9] =	sst s1  }
0xa: {  	[smem:$0x3FAA] =	sst s2  }
0xb: {  	[smem:$0x3FAB] =	sst s3  }
0xc: {  	[smem:$0x3FAC] =	sst s4  }
0xd: {  	[smem:$0x3FAD] =	sst s5  }
0xe: {  	[smem:$0x3FAE] =	sst s6  }
0xf: {  	[smem:$0x3FAF] =	sst s7  }
0x10: {  	[smem:$0x3FB0] =	sst s8  }
0x11: {  	[smem:$0x3FB1] =	sst s9;
	s0 =	simm.s32 @!p0 $0x0  }
0x12: {  	s1 =	sld [smem:$0x3F97];
	s0 =	simm.s32 @p0 $0x1  }
0x13: {  	[smem:$0x3FB2] =	sst s0;
	s0 =	simm.s32 @!p1 $0x0  }
0x14: {  	s2 =	sld [smem:$0x3F96];
	s0 =	simm.s32 @p1 $0x1  }
0x15: {  	[smem:$0x3FB3] =	sst s0;
	s0 =	simm.s32 @!p2 $0x0  }
0x16: {  	s3 =	sld [smem:$0x3FDB];
	s0 =	simm.s32 @p2 $0x1  }
0x17: {  	s4 =	simm.s32 $0x1BF5;
	[smem:$0x3FB5] =	sst s0  }
0x18: {  	s0 =	sld [smem:$0x3F98];
	_ =	swait.ge [sflag:s4], $0x0  }
0x19: {  	s7 =	sld [smem:$0x3F99]  }
0x1a: {  	s8 =	sadd.s32 $0xFFFFE003, lr  }
0x1b: {  	s9 =	sadd.s32 $0xFFFFFEF7, lr;
	s5 =	simm.s32 $0xFFFFFFFF;
	p2 =	slt.u32 s8, $0xFFFFF086  }
0x1c: {  	p1 =	slt.u32 s9, $0xF7A;
	s5 =	simm.s32 @!p2 $0x0  }
0x1d: {  	s5 =	simm.s32 @p1 $0x1;
	p0 =	seq.s32 s7, s2  }
0x1e: {  	s7 =	smul.u32 @!p0 $0xF7A, s2;
	p2 =	seq.s32 @!p0 s5, $0x0  }
0x1f: {  	s9 =	smul.u32 $0xF7A, s1;
	s8 =	simm.s32 @!p0 $0x1BF5;
	p2 =	por !p2, p0  }
0x20: {  	[sflag:s8] =	ssyncset.s32 @!p0 $0xFFFFF086;
	s6 =	sadd.s32 @!p0 s3, s7;
	s7 =	simm.s32 @!p0 $0x108  }
0x21: {  	s3 =	sadd.s32 s3, s9;
	s6 =	sadd.s32 @!p0 $0x88, s6;
	s7 =	simm.s32 @p2 $0x1082  }
0x22: {  	[simem:s7], [sflag:s8] =	dma.local @!p0 [hbm:s6], $0xF7A  }
0x23: {  	s9 =	sor.u32 $0xD0000000, s2;
	s6 =	simm.s32 $0x108;
	_ =	swait.ge @!p0 [sflag:s8], $0x0  }
0x24: {  	s3 =	sadd.s32 $0x88, s3;
	s6 =	simm.s32 @!p1 $0x1082;
	[sflag:s4] =	ssyncset.s32 $0xFFFFF086  }
0x25: {  	[simem:s6], [sflag:s4] =	dma.local [hbm:s3], $0xF7A  }
0x26: {  	[smem:$0x3F99] =	sst s1;
	(tag) =	ssettag s2;
	_ =	strace s9  }
0x27: {  	s1 =	sld [smem:$0x3FA9]  }
0x28: {  	s2 =	sld [smem:$0x3FAA]  }
0x29: {  	s4 =	sld [smem:$0x3FAC]  }
0x2a: {  	p0 =	seq.s32 s5, $0x0;
	s5 =	sld [smem:$0x3FAD]  }
0x2b: {  	s6 =	sld [smem:$0x3FAE]  }
0x2c: {  	s7 =	sld [smem:$0x3FAF]  }
0x2d: {  	s3 =	simm.s32 $0x108;
	s8 =	sld [smem:$0x3FB0]  }
0x2e: {  	s3 =	simm.s32 @!p0 $0x1082;
	s9 =	sld [smem:$0x3FB1]  }
0x2f: {  	lr =	sadd.s32 s0, s3;
	s0 =	sld [smem:$0x3FA8]  }
0x30: {  	s3 =	sld [smem:$0x3FAB]  }
0x31: {  	[smem:$0x3FB4] =	sst s10  }
0x32: {  	s10 =	sld [smem:$0x3FB2];
	_ =	sdelay $0x3  }
0x33: {  	p0 =	seq.s32 s10, $0x1;
	s10 =	sld [smem:$0x3FB4];
	_ =	sdelay $0x3  }
0x34: {  	[smem:$0x3FB4] =	sst s10  }
0x35: {  	s10 =	sld [smem:$0x3FB3];
	_ =	sdelay $0x3  }
0x36: {  	p1 =	seq.s32 s10, $0x1;
	s10 =	sld [smem:$0x3FB4];
	_ =	sdelay $0x3  }
0x37: {  	[smem:$0x3FB4] =	sst s10  }
0x38: {  	s10 =	sld [smem:$0x3FB5]  }
0x39: {  	_ = 	snop;
	(pc) =	sbr.ind lr, $3  }
0x3a: {  	_ = 	snop  }
0x3b: {  	_ = 	snop  }
0x3c: {  	p2 =	seq.s32 s10, $0x1;
	s10 =	sld [smem:$0x3FB4]  }
0x3d: {  	_ =	shalt  }
0x3e: {  	_ =	shalt  }
0x3f: {  	_ =	shalt  }
0x40: {  	_ =	shalt  }
0x41: {  	_ =	shalt  }
0x42: {  	_ =	shalt  }
0x43: {  	_ =	shalt  }
0x44: {  	_ =	shalt  }
0x45: {  	_ =	shalt  }
0x46: {  	_ =	shalt  }
0x47: {  	_ =	shalt  }
0x48: {  	_ =	shalt  }
0x49: {  	_ =	shalt  }
0x4a: {  	_ =	shalt  }
0x4b: {  	_ =	shalt  }
0x4c: {  	_ =	shalt  }
0x4d: {  	_ =	shalt  }
0x4e: {  	_ =	shalt  }
0x4f: {  	_ =	shalt  }
0x50: {  	_ =	shalt  }
0x51: {  	_ =	shalt  }
0x52: {  	_ =	shalt  }
0x53: {  	_ =	shalt  }
0x54: {  	_ =	shalt  }
0x55: {  	_ =	shalt  }
0x56: {  	_ =	shalt  }
0x57: {  	_ =	shalt  }
0x58: {  	_ =	shalt  }
0x59: {  	_ =	shalt  }
0x5a: {  	_ =	shalt  }
0x5b: {  	_ =	shalt  }
0x5c: {  	_ =	shalt  }
0x5d: {  	_ =	shalt  }
0x5e: {  	_ =	shalt  }
0x5f: {  	_ =	shalt  }
0x60: {  	_ =	shalt  }
0x61: {  	_ =	shalt  }
0x62: {  	_ =	shalt  }
0x63: {  	_ =	shalt  }
0x64: {  	_ =	shalt  }
0x65: {  	_ =	shalt  }
0x66: {  	_ =	shalt  }
0x67: {  	_ =	shalt  }
0x68: {  	_ =	shalt  }
0x69: {  	_ =	shalt  }
0x6a: {  	_ =	shalt  }
0x6b: {  	_ =	shalt  }
0x6c: {  	_ =	shalt  }
0x6d: {  	_ =	shalt  }
0x6e: {  	_ =	shalt  }
0x6f: {  	_ =	shalt  }
0x70: {  	_ =	shalt  }
0x71: {  	_ =	shalt  }
0x72: {  	_ =	shalt  }
0x73: {  	_ =	shalt  }
0x74: {  	_ =	shalt  }
0x75: {  	_ =	shalt  }
0x76: {  	_ =	shalt  }
0x77: {  	_ =	shalt  }
0x78: {  	_ =	shalt  }
0x79: {  	_ =	shalt  }
0x7a: {  	_ =	shalt  }
0x7b: {  	_ =	shalt  }
0x7c: {  	_ =	shalt  }
0x7d: {  	_ =	shalt  }
0x7e: {  	_ =	shalt  }
0x7f: {  	_ =	shalt  }
0x80: {  	_ =	shalt  }
0x81: {  	_ =	shalt  }
0x82: {  	_ =	shalt  }
0x83: {  	_ =	shalt  }
0x84: {  	_ =	shalt  }
0x85: {  	_ =	shalt  }
0x86: {  	_ =	shalt  }
0x87: {  	_ =	shalt  }
.Lfunc_end0:
.L_simem_size_0:
called_computation.1_lowered:
.L_overlay_start_0:
0x88: {  	s2 =	sld [smem:$0x3FD9]  }
0x89: {  	s3 =	sld [smem:$0x3FFE];
	_ =	sdelay $0x1  }
0x8a: {  	s1 =	srdreg.scid  }
0x8b: {  	s0 =	sand.u32 $0x1, s1  }
0x8c: {  	s16 =	sshll.u32 s0, $0xA;
	s2 =	sadd.s32 s3, s2  }
0x8d: {  	s2 =	sadd.s32 s2, s16  }
0x8e: {  	[smem:$0x3FC0] =	sst s2  }
0x8f: {  	_ = 	snop  }
0x90: {  	(tm) =	ssettm $0x1  }
0x91: {  	s17 =	sld [smem:$0x3FFB];
	_ =	sdelay $0x3  }
0x92: {  	_ =	strace s17  }
0x93: {  	s2 =	sld [smem:$0x3FFC];
	_ =	sdelay $0x3  }
0x94: {  	_ =	strace s2  }
0x95: {  	s2 =	sld [smem:$0x3FFD];
	_ =	sdelay $0x3  }
0x96: {  	_ =	strace s2  }
0x97: {  	_ =	strace $0x8FFFFFFF  }
0x98: {  	s18 =	sld [smem:$0x3FDB];
	_ =	sdelay $0x1  }
0x99: {  	s19 =	simm.s32 $_scs_section_size  }
0x9a: {  	s4 =	simm.s32 $_size__tile_overlayer_lowered;
	s5 =	simm.s32 $_tile_overlayer_lowered  }
0x9b: {  	s22 =	simm.s32 $0x1BFF;
	s21 =	sshll.u32 s5, $0x1;
	s2 =	sadd.s32 s19, s18  }
0x9c: {  	s6 =	simm.s32 $0x0;
	s20 =	sshll.u32 s4, $0x1;
	s4 =	sadd.s32 s21, s2  }
0x9d: {  	[timem:s6], [sflag:s22] =	dma.local [hbm:s4], s20  }
0x9e: {  	_ =	swait.ge [sflag:s22], s20  }
0x9f: {  	s3 =	ssub.s32 $0x0, s20;
	[sflag:s22] =	ssyncset.done $0x0  }
0xa0: {  	[sflag:s22] =	ssyncadd.s32 s3;
	_ =	sdelay $0x1  }
0xa1: {  	s23 =	simm.s32 $0x1B8B  }
0xa2: {  	_ =	swait.ge [sflag:s23], $0x1  }
0xa3: {  	[sflag:s23] =	ssyncset.done $0x0  }
0xa4: {  	s25 =	simm.s32 $0x1B8E;
	s24 =	sld [smem:$0x3FFE];
	[sflag:s23] =	ssyncadd.s32 $0xFFFFFFFF  }
0xa5: {  	s26 =	simm.s32 $execute0_lowered;
	[smem:$0x3FD2] =	sst s25  }
0xa6: {  	s4 =	sshll.u32 s26, $0x1;
	_ =	strace $0x80000049;
	[dreg:$0x1] =	wrdreg $0xFFFFFFFF  }
0xa7: {  	s28 =	simm.s32 $_size_execute0_lowered;
	s2 =	sadd.s32 s2, s4;
	[dreg:$0x0] =	wrdreg $0x0  }
0xa8: {  	s4 =	sshll.u32 s28, $0x1;
	[dreg:$0x2] =	wrdreg s2  }
0xa9: {  	[dreg:$0x3] =	wrdreg s4  }
0xaa: {  	[dreg:$0x4] =	wrdreg $0xC0  }
0xab: {  	_ =	task [dreg:s6], $0x5FFFF  }
0xac: {  	[dreg:$0x1] =	wrdreg $0xFFFFFFFF  }
0xad: {  	[dreg:$0x0] =	wrdreg $0x60  }
0xae: {  	[dreg:$0x2] =	wrdreg s24  }
0xaf: {  	[dreg:$0x3] =	wrdreg $0x120000  }
0xb0: {  	[dreg:$0x4] =	wrdreg $0x9  }
0xb1: {  	_ =	task.clear_ibuf [dreg:s6], $0x5FFFF;
	_ =	strace $0x90000049  }
0xb2: {  	s29 =	simm.s32 $0x9;
	_ =	strace $0x8000004B  }
0xb3: {  	_ =	swait.ge [sflag:s29], $0x1  }
0xb4: {  	[sflag:s29] =	ssyncadd.s32 $0xFFFFFFFF  }
0xb5: {  	_ =	strace $0x9000004B  }
0xb6: {  	_ =	sfence  }
0xb7: {  	s30 =	sld [smem:$0x0];
	_ =	sdelay $0x2  }
0xb8: {  	s31 =	sshll.u32 s1, $0xD;
	s1 =	sshrl.u32 s1, $0x2  }
0xb9: {  	s3 =	sand.u32 $0x4000, s31;
	s1 =	sadd.s32 s1, s30  }
0xba: {  	s0 =	sor.u32 s3, s0;
	s1 =	sshll.u32 s1, $0x11  }
0xbb: {  	s0 =	sor.u32 s1, s0  }
0xbc: {  	s0 =	sadd.s32 $0x8F2B, s0  }
0xbd: {  	[sflag:s0] =	ssyncadd.remote.s32 $0x1  }
0xbe: {  	_ =	sfence.sel $0xFFFF  }
0xbf: {  	[dreg:$0x0] =	wrdreg $0xFFFFFFFF;
	(pc) =	sbr.abs _section_cstart, $3  }
0xc0: {  	[dreg:$0x1] =	wrdreg $0xFFFFFFFF  }
0xc1: {  	_ =	task.clear_ibuf [dreg:s6], $0x2FFFF;
	_ =	strace $0x9FFFFFFF  }
0xc2: {  	(tm) =	ssettm $0x7FFFFFFF  }
0xc3: {  	_ =	shalt  }
tec
execute0_lowered:
.L_overlay_start_1:
0x0: {  	(tag) =	ssettag $0x1  }
0x1: {  	s0 =	srdreg.scid  }
0x2: {  	s1 =	rddreg [dreg:$0x0];
	s10 =	stileid.u32  }
0x3: {  	s2 =	rddreg [dreg:$0x1];
	s3 =	simm.s32 $0x0;
	s12 =	simm.s32 $0x9  }
0x4: {  	s14 =	simm.s32 $0x80;
	s15 =	simm.s32 $0xA000;
	s16 =	simm.s32 $0xC000  }
0x5: {  	s18 =	simm.s32 $0xE000;
	s20 =	simm.s32 $0x10000;
	s21 =	simm.s32 $0x1  }
0x6: {  	s22 =	simm.s32 $0x2;
	s23 =	simm.s32 $0x3;
	s24 =	simm.s32 $0x4  }
0x7: {  	s28 =	simm.s32 $0x7;
	s29 =	simm.s32 $0x8;
	s5 =	smul.u32 $0xA00, s10  }
0x8: {  	s31 =	simm.s32 $0x9E80;
	s0 =	sand.u32 $0x1, s0;
	s6 =	smul.u32 $0xA000, s10  }
0x9: {  	s13 =	simm.s32 $0x0;
	[smem:$0x7FF] =	sst s3;
	s4 =	smul.u32 $0x13880, s0  }
0xa: {  	s30 =	sshll.u32 s10, $0x6;
	s7 =	smul.u32 $0xA0000, s0;
	s0 =	ssub.s32 $0x2, s0  }
0xb: {  	_ =	strace $0x8000004A;
	s9 =	sadd.s32 s5, s1;
	s26 =	sshrl.u32 s0, $0x1  }
0xc: {  	s11 =	sadd.s32 s6, s2;
	s8 =	sadd.s32 s4, s1;
	s25 =	sadd.s32 s6, s7  }
0xd: {  	s4 =	sadd.s32 $0xC200, s1;
	s0 =	ssub.s32 s0, s26;
	s6 =	sadd.s32 $0x16400, s9  }
0xe: {  	s7 =	sadd.s32 $0x2200, s9;
	s11 =	sshrl.u32 s11, $0x3;
	s26 =	simm.s32 $0x6  }
0xf: {  	s5 =	sshrl.u32 s25, $0x3;
	s8 =	sadd.s32 $0x6E800, s8;
	s10 =	smax.u32 s0, $0x1  }
0x10: {  	s25 =	simm.s32 $0x5;
	s0 =	simm.s32 $0x9F80;
	s1 =	sadd.s32 s5, s1  }
0x11: {  	s5 =	sor.u32 $0x1C09, s30;
	s9 =	sadd.s32 $0x95A00, s1;
	s1 =	simm.s32 $0x9F00  }
.LBB2_1:
0x12: {  	[spmem:s11], [sflag:s5] =	dma.local [hbm:s4], $0x1400  }
0x13: {  	_ =	swait.ge [sflag:s12], $0x1400  }
0x14: {  	[sflag:s12] =	ssyncset.done $0x0  }
0x15: {  	[sflag:s12] =	ssyncadd.s32 $0xFFFFEC00  }
0x16: {  	[tilespmem:s3], [sflag:$0x9] =	stream.linear.gather [hbm4b:s6+s3], $0x5000, $0x38;
	[tilespmem:$0x1C000] =	vst v63  }
0x17: {  	_ =	swait.ge [sflag:s12], $0x5000  }
0x18: {  	[sflag:s12] =	ssyncset.done $0x0  }
0x19: {  	s17 =	simm.s32 $0x5000;
	[sflag:s12] =	ssyncadd.s32 $0xFFFFB000  }
0x1a: {  	[tilespmem:s17], [sflag:$0x9] =	stream.linear.gather [hbm4b:s7+s3], $0x5000, $0x38;
	[tilespmem:$0x1C000] =	vst v63  }
0x1b: {  	_ =	swait.ge [sflag:s12], $0x5000  }
0x1c: {  	[sflag:s12] =	ssyncset.done $0x0  }
0x1d: {  	[sflag:s12] =	ssyncadd.s32 $0xFFFFB000  }
0x1e: {  	[bflag:$0x0] =	sbarrier.arrive $0xFFFF  }
0x1f: {  	[tilespmem:s15], [sflag:$0x1] =	stream.indirect.gather [hbm4b:s8+s14], $0x40, s3, s14, $0xb8;
	[tilespmem:$0x1C000] =	vst v63  }
0x20: {  	_ = 	snop  }
0x21: {  	[tilespmem:s16], [sflag:$0x2] =	stream.indirect.gather [hbm4b:s8+s14], $0x40, s14, s14, $0xb8;
	[tilespmem:$0x1C000] =	vst v63  }
0x22: {  	s30 =	simm.s32 $0x100  }
0x23: {  	[tilespmem:s18], [sflag:$0x3] =	stream.indirect.gather [hbm4b:s8+s14], $0x40, s30, s14, $0xb8;
	[tilespmem:$0x1C000] =	vst v63  }
0x24: {  	s19 =	simm.s32 $0x180  }
0x25: {  	[tilespmem:s20], [sflag:$0x4] =	stream.indirect.gather [hbm4b:s8+s14], $0x40, s19, s14, $0xb8;
	[tilespmem:$0x1C000] =	vst v63  }
0x26: {  	_ =	swait.ge [sflag:s21], $0x2000  }
0x27: {  	[sflag:s21] =	ssyncset.done $0x0  }
0x28: {  	s30 =	simm.s32 $0x5000;
	[sflag:s21] =	ssyncadd.s32 $0xFFFFE000  }
0x29: {  	[spmem:s2] =	stream.indirect.scatter.add.f32 [tilespmem:s15], [sflag:$0x5], $0x40, s30, s14, $0xb8;
	[tilespmem:$0x1C000] =	vst v63  }
0x2a: {  	_ =	swait.ge [sflag:s22], $0x2000  }
0x2b: {  	[sflag:s22] =	ssyncset.done $0x0  }
0x2c: {  	s19 =	simm.s32 $0x5080;
	[sflag:s22] =	ssyncadd.s32 $0xFFFFE000  }
0x2d: {  	[spmem:s2] =	stream.indirect.scatter.add.f32 [tilespmem:s16], [sflag:$0x6], $0x40, s19, s14, $0xb8;
	[tilespmem:$0x1C000] =	vst v63  }
0x2e: {  	_ =	swait.ge [sflag:s23], $0x2000  }
0x2f: {  	[sflag:s23] =	ssyncset.done $0x0  }
0x30: {  	s30 =	simm.s32 $0x5100;
	[sflag:s23] =	ssyncadd.s32 $0xFFFFE000  }
0x31: {  	[spmem:s2] =	stream.indirect.scatter.add.f32 [tilespmem:s18], [sflag:$0x7], $0x40, s30, s14, $0xb8;
	[tilespmem:$0x1C000] =	vst v63  }
0x32: {  	_ =	swait.ge [sflag:s24], $0x2000  }
0x33: {  	[sflag:s24] =	ssyncset.done $0x0  }
0x34: {  	s19 =	simm.s32 $0x5180;
	[sflag:s24] =	ssyncadd.s32 $0xFFFFE000  }
0x35: {  	[spmem:s2] =	stream.indirect.scatter.add.f32 [tilespmem:s20], [sflag:$0x8], $0x40, s19, s14, $0xb8;
	[tilespmem:$0x1C000] =	vst v63  }
0x36: {  	_ =	swait.ge [sflag:s25], $0x2000  }
0x37: {  	[sflag:s25] =	ssyncset.done $0x0  }
0x38: {  	s30 =	simm.s32 $0x200;
	[sflag:s25] =	ssyncadd.s32 $0xFFFFE000  }
0x39: {  	[tilespmem:s15], [sflag:$0x1] =	stream.indirect.gather [hbm4b:s8+s14], $0x40, s30, s14, $0xb8;
	[tilespmem:$0x1C000] =	vst v63  }
0x3a: {  	_ =	swait.ge [sflag:s26], $0x2000  }
0x3b: {  	[sflag:s26] =	ssyncset.done $0x0  }
0x3c: {  	s19 =	simm.s32 $0x280;
	[sflag:s26] =	ssyncadd.s32 $0xFFFFE000  }
0x3d: {  	[tilespmem:s16], [sflag:$0x2] =	stream.indirect.gather [hbm4b:s8+s14], $0x40, s19, s14, $0xb8;
	[tilespmem:$0x1C000] =	vst v63  }
0x3e: {  	_ =	swait.ge [sflag:s28], $0x2000  }
0x3f: {  	[sflag:s28] =	ssyncset.done $0x0  }
0x40: {  	s30 =	simm.s32 $0x300;
	[sflag:s28] =	ssyncadd.s32 $0xFFFFE000  }
0x41: {  	[tilespmem:s18], [sflag:$0x3] =	stream.indirect.gather [hbm4b:s8+s14], $0x40, s30, s14, $0xb8;
	[tilespmem:$0x1C000] =	vst v63  }
0x42: {  	_ =	swait.ge [sflag:s29], $0x2000  }
0x43: {  	[sflag:s29] =	ssyncset.done $0x0  }
0x44: {  	s17 =	simm.s32 $0x800;
	s19 =	simm.s32 $0x380;
	[sflag:s29] =	ssyncadd.s32 $0xFFFFE000  }
.LBB2_2:
0x45: {  	[tilespmem:s20], [sflag:$0x4] =	stream.indirect.gather [hbm4b:s8+s14], $0x40, s19, s14, $0xb8;
	[tilespmem:$0x1C000] =	vst v63  }
0x46: {  	s19 =	smov.u32 s17  }
0x47: {  	p0 =	sne.s32 s17, $0x13000;
	s17 =	sadd.s32 $0x800, s17;
	_ =	swait.ge [sflag:s21], $0x2000  }
0x48: {  	s19 =	sshra.s32 s19, $0x2;
	[sflag:s21] =	ssyncset.done $0x0  }
0x49: {  	s30 =	sadd.s32 $0x5000, s19;
	[sflag:s21] =	ssyncadd.s32 $0xFFFFE000  }
0x4a: {  	[spmem:s2] =	stream.indirect.scatter.add.f32 [tilespmem:s15], [sflag:$0x5], $0x40, s30, s14, $0xb8;
	[tilespmem:$0x1C000] =	vst v63  }
0x4b: {  	_ =	swait.ge [sflag:s22], $0x2000  }
0x4c: {  	[sflag:s22] =	ssyncset.done $0x0  }
0x4d: {  	s30 =	sadd.s32 $0x5080, s19;
	[sflag:s22] =	ssyncadd.s32 $0xFFFFE000  }
0x4e: {  	[spmem:s2] =	stream.indirect.scatter.add.f32 [tilespmem:s16], [sflag:$0x6], $0x40, s30, s14, $0xb8;
	[tilespmem:$0x1C000] =	vst v63  }
0x4f: {  	_ =	swait.ge [sflag:s23], $0x2000  }
0x50: {  	[sflag:s23] =	ssyncset.done $0x0  }
0x51: {  	s30 =	sadd.s32 $0x5100, s19;
	[sflag:s23] =	ssyncadd.s32 $0xFFFFE000  }
0x52: {  	[spmem:s2] =	stream.indirect.scatter.add.f32 [tilespmem:s18], [sflag:$0x7], $0x40, s30, s14, $0xb8;
	[tilespmem:$0x1C000] =	vst v63  }
0x53: {  	_ =	swait.ge [sflag:s24], $0x2000  }
0x54: {  	[sflag:s24] =	ssyncset.done $0x0  }
0x55: {  	s30 =	sadd.s32 $0x5180, s19;
	[sflag:s24] =	ssyncadd.s32 $0xFFFFE000  }
0x56: {  	[spmem:s2] =	stream.indirect.scatter.add.f32 [tilespmem:s20], [sflag:$0x8], $0x40, s30, s14, $0xb8;
	[tilespmem:$0x1C000] =	vst v63  }
0x57: {  	_ =	swait.ge [sflag:s25], $0x2000  }
0x58: {  	[sflag:s25] =	ssyncset.done $0x0  }
0x59: {  	s30 =	sadd.s32 $0x200, s19;
	[sflag:s25] =	ssyncadd.s32 $0xFFFFE000  }
0x5a: {  	[tilespmem:s15], [sflag:$0x1] =	stream.indirect.gather [hbm4b:s8+s14], $0x40, s30, s14, $0xb8;
	[tilespmem:$0x1C000] =	vst v63  }
0x5b: {  	_ =	swait.ge [sflag:s26], $0x2000  }
0x5c: {  	[sflag:s26] =	ssyncset.done $0x0  }
0x5d: {  	s30 =	sadd.s32 $0x280, s19;
	[sflag:s26] =	ssyncadd.s32 $0xFFFFE000  }
0x5e: {  	[tilespmem:s16], [sflag:$0x2] =	stream.indirect.gather [hbm4b:s8+s14], $0x40, s30, s14, $0xb8;
	[tilespmem:$0x1C000] =	vst v63  }
0x5f: {  	_ =	swait.ge [sflag:s28], $0x2000  }
0x60: {  	[sflag:s28] =	ssyncset.done $0x0  }
.Ltmp0:
0x61: {  	s30 =	sadd.s32 $0x300, s19;
	[sflag:s28] =	ssyncadd.s32 $0xFFFFE000;
	(pc) =	sbr.rel @p0 .LBB2_2-.Ltmp0, $4  }
0x62: {  	[tilespmem:s18], [sflag:$0x3] =	stream.indirect.gather [hbm4b:s8+s14], $0x40, s30, s14, $0xb8;
	[tilespmem:$0x1C000] =	vst v63  }
0x63: {  	_ =	swait.ge [sflag:s29], $0x2000  }
0x64: {  	[sflag:s29] =	ssyncset.done $0x0  }
0x65: {  	s19 =	sadd.s32 $0x380, s19;
	[sflag:s29] =	ssyncadd.s32 $0xFFFFE000  }
0x66: {  	[tilespmem:s20], [sflag:$0x4] =	stream.indirect.gather [hbm4b:s8+s14], $0x40, s19, s14, $0xb8;
	[tilespmem:$0x1C000] =	vst v63  }
0x67: {  	_ =	swait.ge [sflag:s21], $0x2000  }
0x68: {  	[sflag:s21] =	ssyncset.done $0x0  }
0x69: {  	s17 =	simm.s32 $0x9E00;
	[sflag:s21] =	ssyncadd.s32 $0xFFFFE000  }
0x6a: {  	[spmem:s2] =	stream.indirect.scatter.add.f32 [tilespmem:s15], [sflag:$0x5], $0x40, s17, s14, $0xb8;
	[tilespmem:$0x1C000] =	vst v63  }
0x6b: {  	_ =	swait.ge [sflag:s22], $0x2000  }
0x6c: {  	[sflag:s22] =	ssyncset.done $0x0  }
0x6d: {  	[sflag:s22] =	ssyncadd.s32 $0xFFFFE000  }
0x6e: {  	[spmem:s2] =	stream.indirect.scatter.add.f32 [tilespmem:s16], [sflag:$0x6], $0x40, s31, s14, $0xb8;
	[tilespmem:$0x1C000] =	vst v63  }
0x6f: {  	_ =	swait.ge [sflag:s23], $0x2000  }
0x70: {  	[sflag:s23] =	ssyncset.done $0x0  }
0x71: {  	[sflag:s23] =	ssyncadd.s32 $0xFFFFE000  }
0x72: {  	[spmem:s2] =	stream.indirect.scatter.add.f32 [tilespmem:s18], [sflag:$0x7], $0x40, s1, s14, $0xb8;
	[tilespmem:$0x1C000] =	vst v63  }
0x73: {  	_ =	swait.ge [sflag:s24], $0x2000  }
0x74: {  	[sflag:s24] =	ssyncset.done $0x0  }
0x75: {  	[sflag:s24] =	ssyncadd.s32 $0xFFFFE000  }
0x76: {  	[spmem:s2] =	stream.indirect.scatter.add.f32 [tilespmem:s20], [sflag:$0x8], $0x40, s0, s14, $0xb8;
	[tilespmem:$0x1C000] =	vst v63  }
0x77: {  	_ =	swait.ge [sflag:s25], $0x2000  }
0x78: {  	[sflag:s25] =	ssyncset.done $0x0  }
0x79: {  	[sflag:s25] =	ssyncadd.s32 $0xFFFFE000  }
0x7a: {  	_ =	swait.ge [sflag:s26], $0x2000  }
0x7b: {  	[sflag:s26] =	ssyncset.done $0x0  }
0x7c: {  	[sflag:s26] =	ssyncadd.s32 $0xFFFFE000  }
0x7d: {  	_ =	swait.ge [sflag:s28], $0x2000  }
0x7e: {  	[sflag:s28] =	ssyncset.done $0x0  }
0x7f: {  	[sflag:s28] =	ssyncadd.s32 $0xFFFFE000  }
0x80: {  	_ =	swait.ge [sflag:s29], $0x2000  }
0x81: {  	s13 =	sadd.s32 $0x1, s13;
	[sflag:s29] =	ssyncset.done $0x0  }
0x82: {  	p0 =	sne.s32 s13, s10;
	[sflag:s29] =	ssyncadd.s32 $0xFFFFE000  }
.Ltmp1:
0x83: {  	[bflag:$0x0] =	sbarrier.arrive $0xFFFF;
	(pc) =	sbr.rel @p0 .LBB2_1-.Ltmp1, $4  }
0x84: {  	[hbm:s9], [sflag:s5] =	dma.local [spmem:s11], $0x1400  }
0x85: {  	_ =	swait.ge [sflag:s12], $0x1400  }
0x86: {  	[sflag:s12] =	ssyncset.done $0x0  }
0x87: {  	[sflag:s12] =	ssyncadd.s32 $0xFFFFEC00  }
0x88: {  	_ =	sfence.sel $0x180000  }
0x89: {  	[bflag:$0x0] =	sbarrier.arrive $0xFFFF  }
0x8a: {  	_ =	strace $0x9000004A  }
0x8b: {  	s0 =	stileid.u32;
	[bflag:$0x2] =	sbarrier.arrive $0xFFFF  }
0x8c: {  	p0 =	sne.s32 s0, $0x0;
	s0 =	rddreg [dreg:$0x2]  }
0x8d: {  	s0 =	sadd.s32 @!p0 $0x100000, s0  }
0x8e: {  	[sflag:s0] =	ssyncadd.tile.s32 @!p0 $0x1;
	_ =	shalt  }
.Lfunc_end2:
_tile_overlayer_lowered:
.L_overlay_start_2:
0x8f: {  	(tag) =	ssettag $0x2  }
0x90: {  	s0 =	rddreg [dreg:$0x0];
	s2 =	stileid.u32  }
0x91: {  	s1 =	rddreg [dreg:$0x1];
	p0 =	sne.s32 s2, $0x0  }
0x92: {  	s3 =	rddreg [dreg:$0x2];
	[bflag:$0x3] =	sbarrier.arrive $0xFFFF;
	s2 =	simm.s32 @!p0 $0x1C09  }
0x93: {  	[timem:s3], [sflag:s2] =	dma.local @!p0 [hbm:s0], s1  }
0x94: {  	s0 =	simm.s32 @!p0 $0x9  }
0x95: {  	_ =	swait.ge @!p0 [sflag:s0], s1  }
0x96: {  	s1 =	ssub.s32 @!p0 $0x0, s1;
	[sflag:s0] =	ssyncset.done @!p0 $0x0  }
0x97: {  	[sflag:s0] =	ssyncadd.s32 @!p0 s1  }
0x98: {  	[bflag:$0x3] =	sbarrier.arrive $0xFFFF  }
0x99: {  	_ =	shalt  }

// kernel: kernel.15.cloned.1.call-start
scs
__scs_entry_jumppad:
0x0: {  	(pc) =	sbr.rel $0x88, $3  }
0x1: {  	(tag) =	ssettag $0x0;
	lr =	simm.s32 $0x1  }
0x2: {  	[smem:$0x3F99] =	sst lr;
	_ =	strace $0xD0000000  }
0x3: {  	_ = 	snop  }
0x4: {  	_ = 	snop  }
0x5: {  	_ = 	snop  }
0x6: {  	_ = 	snop  }
0x7: {  	_ = 	snop  }
__scs_overlays_trampoline_lowered:
0x8: {  	[smem:$0x3FA8] =	sst s0  }
0x9: {  	[smem:$0x3FA9] =	sst s1  }
0xa: {  	[smem:$0x3FAA] =	sst s2  }
0xb: {  	[smem:$0x3FAB] =	sst s3  }
0xc: {  	[smem:$0x3FAC] =	sst s4  }
0xd: {  	[smem:$0x3FAD] =	sst s5  }
0xe: {  	[smem:$0x3FAE] =	sst s6  }
0xf: {  	[smem:$0x3FAF] =	sst s7  }
0x10: {  	[smem:$0x3FB0] =	sst s8  }
0x11: {  	[smem:$0x3FB1] =	sst s9;
	s0 =	simm.s32 @!p0 $0x0  }
0x12: {  	s1 =	sld [smem:$0x3F97];
	s0 =	simm.s32 @p0 $0x1  }
0x13: {  	[smem:$0x3FB2] =	sst s0;
	s0 =	simm.s32 @!p1 $0x0  }
0x14: {  	s2 =	sld [smem:$0x3F96];
	s0 =	simm.s32 @p1 $0x1  }
0x15: {  	[smem:$0x3FB3] =	sst s0;
	s0 =	simm.s32 @!p2 $0x0  }
0x16: {  	s3 =	sld [smem:$0x3FDB];
	s0 =	simm.s32 @p2 $0x1  }
0x17: {  	s4 =	simm.s32 $0x1BF5;
	[smem:$0x3FB5] =	sst s0  }
0x18: {  	s0 =	sld [smem:$0x3F98];
	_ =	swait.ge [sflag:s4], $0x0  }
0x19: {  	s7 =	sld [smem:$0x3F99]  }
0x1a: {  	s8 =	sadd.s32 $0xFFFFE003, lr  }
0x1b: {  	s9 =	sadd.s32 $0xFFFFFEF7, lr;
	s5 =	simm.s32 $0xFFFFFFFF;
	p2 =	slt.u32 s8, $0xFFFFF086  }
0x1c: {  	p1 =	slt.u32 s9, $0xF7A;
	s5 =	simm.s32 @!p2 $0x0  }
0x1d: {  	s5 =	simm.s32 @p1 $0x1;
	p0 =	seq.s32 s7, s2  }
0x1e: {  	s7 =	smul.u32 @!p0 $0xF7A, s2;
	p2 =	seq.s32 @!p0 s5, $0x0  }
0x1f: {  	s9 =	smul.u32 $0xF7A, s1;
	s8 =	simm.s32 @!p0 $0x1BF5;
	p2 =	por !p2, p0  }
0x20: {  	[sflag:s8] =	ssyncset.s32 @!p0 $0xFFFFF086;
	s6 =	sadd.s32 @!p0 s3, s7;
	s7 =	simm.s32 @!p0 $0x108  }
0x21: {  	s3 =	sadd.s32 s3, s9;
	s6 =	sadd.s32 @!p0 $0x88, s6;
	s7 =	simm.s32 @p2 $0x1082  }
0x22: {  	[simem:s7], [sflag:s8] =	dma.local @!p0 [hbm:s6], $0xF7A  }
0x23: {  	s9 =	sor.u32 $0xD0000000, s2;
	s6 =	simm.s32 $0x108;
	_ =	swait.ge @!p0 [sflag:s8], $0x0  }
0x24: {  	s3 =	sadd.s32 $0x88, s3;
	s6 =	simm.s32 @!p1 $0x1082;
	[sflag:s4] =	ssyncset.s32 $0xFFFFF086  }
0x25: {  	[simem:s6], [sflag:s4] =	dma.local [hbm:s3], $0xF7A  }
0x26: {  	[smem:$0x3F99] =	sst s1;
	(tag) =	ssettag s2;
	_ =	strace s9  }
0x27: {  	s1 =	sld [smem:$0x3FA9]  }
0x28: {  	s2 =	sld [smem:$0x3FAA]  }
0x29: {  	s4 =	sld [smem:$0x3FAC]  }
0x2a: {  	p0 =	seq.s32 s5, $0x0;
	s5 =	sld [smem:$0x3FAD]  }
0x2b: {  	s6 =	sld [smem:$0x3FAE]  }
0x2c: {  	s7 =	sld [smem:$0x3FAF]  }
0x2d: {  	s3 =	simm.s32 $0x108;
	s8 =	sld [smem:$0x3FB0]  }
0x2e: {  	s3 =	simm.s32 @!p0 $0x1082;
	s9 =	sld [smem:$0x3FB1]  }
0x2f: {  	lr =	sadd.s32 s0, s3;
	s0 =	sld [smem:$0x3FA8]  }
0x30: {  	s3 =	sld [smem:$0x3FAB]  }
0x31: {  	[smem:$0x3FB4] =	sst s10  }
0x32: {  	s10 =	sld [smem:$0x3FB2];
	_ =	sdelay $0x3  }
0x33: {  	p0 =	seq.s32 s10, $0x1;
	s10 =	sld [smem:$0x3FB4];
	_ =	sdelay $0x3  }
0x34: {  	[smem:$0x3FB4] =	sst s10  }
0x35: {  	s10 =	sld [smem:$0x3FB3];
	_ =	sdelay $0x3  }
0x36: {  	p1 =	seq.s32 s10, $0x1;
	s10 =	sld [smem:$0x3FB4];
	_ =	sdelay $0x3  }
0x37: {  	[smem:$0x3FB4] =	sst s10  }
0x38: {  	s10 =	sld [smem:$0x3FB5]  }
0x39: {  	_ = 	snop;
	(pc) =	sbr.ind lr, $3  }
0x3a: {  	_ = 	snop  }
0x3b: {  	_ = 	snop  }
0x3c: {  	p2 =	seq.s32 s10, $0x1;
	s10 =	sld [smem:$0x3FB4]  }
0x3d: {  	_ =	shalt  }
0x3e: {  	_ =	shalt  }
0x3f: {  	_ =	shalt  }
0x40: {  	_ =	shalt  }
0x41: {  	_ =	shalt  }
0x42: {  	_ =	shalt  }
0x43: {  	_ =	shalt  }
0x44: {  	_ =	shalt  }
0x45: {  	_ =	shalt  }
0x46: {  	_ =	shalt  }
0x47: {  	_ =	shalt  }
0x48: {  	_ =	shalt  }
0x49: {  	_ =	shalt  }
0x4a: {  	_ =	shalt  }
0x4b: {  	_ =	shalt  }
0x4c: {  	_ =	shalt  }
0x4d: {  	_ =	shalt  }
0x4e: {  	_ =	shalt  }
0x4f: {  	_ =	shalt  }
0x50: {  	_ =	shalt  }
0x51: {  	_ =	shalt  }
0x52: {  	_ =	shalt  }
0x53: {  	_ =	shalt  }
0x54: {  	_ =	shalt  }
0x55: {  	_ =	shalt  }
0x56: {  	_ =	shalt  }
0x57: {  	_ =	shalt  }
0x58: {  	_ =	shalt  }
0x59: {  	_ =	shalt  }
0x5a: {  	_ =	shalt  }
0x5b: {  	_ =	shalt  }
0x5c: {  	_ =	shalt  }
0x5d: {  	_ =	shalt  }
0x5e: {  	_ =	shalt  }
0x5f: {  	_ =	shalt  }
0x60: {  	_ =	shalt  }
0x61: {  	_ =	shalt  }
0x62: {  	_ =	shalt  }
0x63: {  	_ =	shalt  }
0x64: {  	_ =	shalt  }
0x65: {  	_ =	shalt  }
0x66: {  	_ =	shalt  }
0x67: {  	_ =	shalt  }
0x68: {  	_ =	shalt  }
0x69: {  	_ =	shalt  }
0x6a: {  	_ =	shalt  }
0x6b: {  	_ =	shalt  }
0x6c: {  	_ =	shalt  }
0x6d: {  	_ =	shalt  }
0x6e: {  	_ =	shalt  }
0x6f: {  	_ =	shalt  }
0x70: {  	_ =	shalt  }
0x71: {  	_ =	shalt  }
0x72: {  	_ =	shalt  }
0x73: {  	_ =	shalt  }
0x74: {  	_ =	shalt  }
0x75: {  	_ =	shalt  }
0x76: {  	_ =	shalt  }
0x77: {  	_ =	shalt  }
0x78: {  	_ =	shalt  }
0x79: {  	_ =	shalt  }
0x7a: {  	_ =	shalt  }
0x7b: {  	_ =	shalt  }
0x7c: {  	_ =	shalt  }
0x7d: {  	_ =	shalt  }
0x7e: {  	_ =	shalt  }
0x7f: {  	_ =	shalt  }
0x80: {  	_ =	shalt  }
0x81: {  	_ =	shalt  }
0x82: {  	_ =	shalt  }
0x83: {  	_ =	shalt  }
0x84: {  	_ =	shalt  }
0x85: {  	_ =	shalt  }
0x86: {  	_ =	shalt  }
0x87: {  	_ =	shalt  }
.Lfunc_end0:
.L_simem_size_0:
called_computation.2_lowered:
.L_overlay_start_0:
0x88: {  	s2 =	sld [smem:$0x3FD9]  }
0x89: {  	s3 =	sld [smem:$0x3FFE];
	_ =	sdelay $0x1  }
0x8a: {  	s1 =	srdreg.scid  }
0x8b: {  	s0 =	sand.u32 $0x1, s1  }
0x8c: {  	s16 =	sshll.u32 s0, $0xA;
	s2 =	sadd.s32 s3, s2  }
0x8d: {  	s2 =	sadd.s32 s2, s16  }
0x8e: {  	[smem:$0x3FC0] =	sst s2  }
0x8f: {  	_ = 	snop  }
0x90: {  	(tm) =	ssettm $0x1  }
0x91: {  	s17 =	sld [smem:$0x3FFB];
	_ =	sdelay $0x3  }
0x92: {  	_ =	strace s17  }
0x93: {  	s2 =	sld [smem:$0x3FFC];
	_ =	sdelay $0x3  }
0x94: {  	_ =	strace s2  }
0x95: {  	s2 =	sld [smem:$0x3FFD];
	_ =	sdelay $0x3  }
0x96: {  	_ =	strace s2  }
0x97: {  	_ =	strace $0x8FFFFFFF  }
0x98: {  	s18 =	sld [smem:$0x3FDB];
	_ =	sdelay $0x1  }
0x99: {  	s19 =	simm.s32 $_scs_section_size  }
0x9a: {  	s4 =	simm.s32 $_size__tile_overlayer_lowered;
	s5 =	simm.s32 $_tile_overlayer_lowered  }
0x9b: {  	s22 =	simm.s32 $0x1BFF;
	s21 =	sshll.u32 s5, $0x1;
	s2 =	sadd.s32 s19, s18  }
0x9c: {  	s6 =	simm.s32 $0x0;
	s20 =	sshll.u32 s4, $0x1;
	s4 =	sadd.s32 s21, s2  }
0x9d: {  	[timem:s6], [sflag:s22] =	dma.local [hbm:s4], s20  }
0x9e: {  	_ =	swait.ge [sflag:s22], s20  }
0x9f: {  	s3 =	ssub.s32 $0x0, s20;
	[sflag:s22] =	ssyncset.done $0x0  }
0xa0: {  	[sflag:s22] =	ssyncadd.s32 s3;
	_ =	sdelay $0x1  }
0xa1: {  	s23 =	simm.s32 $0x1B8B  }
0xa2: {  	_ =	swait.ge [sflag:s23], $0x1  }
0xa3: {  	[sflag:s23] =	ssyncset.done $0x0  }
0xa4: {  	s25 =	simm.s32 $0x1B8E;
	s24 =	sld [smem:$0x3FFE];
	[sflag:s23] =	ssyncadd.s32 $0xFFFFFFFF  }
0xa5: {  	s26 =	simm.s32 $execute0_lowered;
	[smem:$0x3FD2] =	sst s25  }
0xa6: {  	s4 =	sshll.u32 s26, $0x1;
	_ =	strace $0x8000004C;
	[dreg:$0x1] =	wrdreg $0xFFFFFFFF  }
0xa7: {  	s28 =	simm.s32 $_size_execute0_lowered;
	s2 =	sadd.s32 s2, s4;
	[dreg:$0x0] =	wrdreg $0x0  }
0xa8: {  	s4 =	sshll.u32 s28, $0x1;
	[dreg:$0x2] =	wrdreg s2  }
0xa9: {  	[dreg:$0x3] =	wrdreg s4  }
0xaa: {  	[dreg:$0x4] =	wrdreg $0xC0  }
0xab: {  	_ =	task [dreg:s6], $0x5FFFF  }
0xac: {  	[dreg:$0x1] =	wrdreg $0xFFFFFFFF  }
0xad: {  	[dreg:$0x0] =	wrdreg $0x60  }
0xae: {  	[dreg:$0x2] =	wrdreg s24  }
0xaf: {  	[dreg:$0x3] =	wrdreg $0xD0000  }
0xb0: {  	[dreg:$0x4] =	wrdreg $0x9  }
0xb1: {  	_ =	task.clear_ibuf [dreg:s6], $0x5FFFF;
	_ =	strace $0x9000004C  }
0xb2: {  	s29 =	simm.s32 $0x9;
	_ =	strace $0x8000004E  }
0xb3: {  	_ =	swait.ge [sflag:s29], $0x1  }
0xb4: {  	[sflag:s29] =	ssyncadd.s32 $0xFFFFFFFF  }
0xb5: {  	_ =	strace $0x9000004E  }
0xb6: {  	_ =	sfence  }
0xb7: {  	s30 =	sld [smem:$0x0];
	_ =	sdelay $0x2  }
0xb8: {  	s31 =	sshll.u32 s1, $0xD;
	s1 =	sshrl.u32 s1, $0x2  }
0xb9: {  	s3 =	sand.u32 $0x4000, s31;
	s1 =	sadd.s32 s1, s30  }
0xba: {  	s0 =	sor.u32 s3, s0;
	s1 =	sshll.u32 s1, $0x11  }
0xbb: {  	s0 =	sor.u32 s1, s0  }
0xbc: {  	s0 =	sadd.s32 $0x8F2B, s0  }
0xbd: {  	[sflag:s0] =	ssyncadd.remote.s32 $0x1  }
0xbe: {  	_ =	sfence.sel $0xFFFF  }
0xbf: {  	[dreg:$0x0] =	wrdreg $0xFFFFFFFF;
	(pc) =	sbr.abs _section_cstart, $3  }
0xc0: {  	[dreg:$0x1] =	wrdreg $0xFFFFFFFF  }
0xc1: {  	_ =	task.clear_ibuf [dreg:s6], $0x2FFFF;
	_ =	strace $0x9FFFFFFF  }
0xc2: {  	(tm) =	ssettm $0x7FFFFFFF  }
0xc3: {  	_ =	shalt  }
tec
execute0_lowered:
.L_overlay_start_1:
0x0: {  	(tag) =	ssettag $0x1  }
0x1: {  	s0 =	srdreg.scid  }
0x2: {  	s10 =	stileid.u32;
	s6 =	rddreg [dreg:$0x0]  }
0x3: {  	s2 =	rddreg [dreg:$0x1];
	s3 =	simm.s32 $0x0;
	s12 =	simm.s32 $0x9  }
0x4: {  	s14 =	simm.s32 $0x80;
	s15 =	simm.s32 $0x5000;
	s16 =	simm.s32 $0x7000  }
0x5: {  	s18 =	simm.s32 $0x9000;
	s20 =	simm.s32 $0xB000;
	s21 =	simm.s32 $0x1  }
0x6: {  	s22 =	simm.s32 $0x2;
	s23 =	simm.s32 $0x3;
	s24 =	simm.s32 $0x4  }
0x7: {  	s25 =	simm.s32 $0x5;
	s28 =	simm.s32 $0x7;
	s29 =	simm.s32 $0x8  }
0x8: {  	s31 =	simm.s32 $0x4E80;
	s13 =	simm.s32 $0x0;
	s0 =	sand.u32 $0x1, s0  }
0x9: {  	s7 =	smul.u32 $0xA000, s10;
	[smem:$0x7FF] =	sst s3;
	s4 =	sadd.s32 $0x6E800, s6  }
0xa: {  	s30 =	sshll.u32 s10, $0x6;
	s1 =	sshll.u32 s0, $0x4;
	s5 =	smul.u32 $0xA0000, s0  }
0xb: {  	_ =	strace $0x8000004D;
	s0 =	ssub.s32 $0x2, s0;
	s1 =	sor.u32 s10, s1  }
0xc: {  	s26 =	sshrl.u32 s0, $0x1;
	s11 =	sadd.s32 s7, s2;
	s1 =	smul.u32 $0x500, s1  }
0xd: {  	s8 =	sadd.s32 s7, s5;
	s5 =	sadd.s32 $0xC200, s6;
	s0 =	ssub.s32 s0, s26  }
0xe: {  	s11 =	sshrl.u32 s11, $0x3;
	s26 =	simm.s32 $0x6;
	s8 =	sshrl.u32 s8, $0x3  }
0xf: {  	s10 =	smax.u32 s0, $0x1;
	s0 =	simm.s32 $0x4F80;
	s1 =	sadd.s32 s1, s6  }
0x10: {  	s9 =	sadd.s32 s8, s6;
	s6 =	sor.u32 $0x1C09, s30;
	s7 =	sadd.s32 $0x16400, s1  }
0x11: {  	s8 =	sadd.s32 $0x2200, s1;
	s9 =	sadd.s32 $0x82200, s9;
	s1 =	simm.s32 $0x4F00  }
.LBB2_1:
0x12: {  	[spmem:s11], [sflag:s6] =	dma.local [hbm:s5], $0x1400  }
0x13: {  	_ =	swait.ge [sflag:s12], $0x1400  }
0x14: {  	[sflag:s12] =	ssyncset.done $0x0  }
0x15: {  	[sflag:s12] =	ssyncadd.s32 $0xFFFFEC00  }
0x16: {  	[tilespmem:s3], [sflag:$0x9] =	stream.linear.gather [hbm4b:s7+s3], $0x2800, $0x38;
	[tilespmem:$0x17000] =	vst v63  }
0x17: {  	_ =	swait.ge [sflag:s12], $0x2800  }
0x18: {  	[sflag:s12] =	ssyncset.done $0x0  }
0x19: {  	s17 =	simm.s32 $0x2800;
	[sflag:s12] =	ssyncadd.s32 $0xFFFFD800  }
0x1a: {  	[tilespmem:s17], [sflag:$0x9] =	stream.linear.gather [hbm4b:s8+s3], $0x2800, $0x38;
	[tilespmem:$0x17000] =	vst v63  }
0x1b: {  	_ =	swait.ge [sflag:s12], $0x2800  }
0x1c: {  	[sflag:s12] =	ssyncset.done $0x0  }
0x1d: {  	[sflag:s12] =	ssyncadd.s32 $0xFFFFD800  }
0x1e: {  	[bflag:$0x0] =	sbarrier.arrive $0xFFFF  }
0x1f: {  	[tilespmem:s15], [sflag:$0x1] =	stream.indirect.gather [hbm4b:s4+s14], $0x40, s3, s14, $0xb8;
	[tilespmem:$0x17000] =	vst v63  }
0x20: {  	_ = 	snop  }
0x21: {  	[tilespmem:s16], [sflag:$0x2] =	stream.indirect.gather [hbm4b:s4+s14], $0x40, s14, s14, $0xb8;
	[tilespmem:$0x17000] =	vst v63  }
0x22: {  	s30 =	simm.s32 $0x100  }
0x23: {  	[tilespmem:s18], [sflag:$0x3] =	stream.indirect.gather [hbm4b:s4+s14], $0x40, s30, s14, $0xb8;
	[tilespmem:$0x17000] =	vst v63  }
0x24: {  	s19 =	simm.s32 $0x180  }
0x25: {  	[tilespmem:s20], [sflag:$0x4] =	stream.indirect.gather [hbm4b:s4+s14], $0x40, s19, s14, $0xb8;
	[tilespmem:$0x17000] =	vst v63  }
0x26: {  	_ =	swait.ge [sflag:s21], $0x2000  }
0x27: {  	[sflag:s21] =	ssyncset.done $0x0  }
0x28: {  	s30 =	simm.s32 $0x2800;
	[sflag:s21] =	ssyncadd.s32 $0xFFFFE000  }
0x29: {  	[spmem:s2] =	stream.indirect.scatter.add.f32 [tilespmem:s15], [sflag:$0x5], $0x40, s30, s14, $0xb8;
	[tilespmem:$0x17000] =	vst v63  }
0x2a: {  	_ =	swait.ge [sflag:s22], $0x2000  }
0x2b: {  	[sflag:s22] =	ssyncset.done $0x0  }
0x2c: {  	s19 =	simm.s32 $0x2880;
	[sflag:s22] =	ssyncadd.s32 $0xFFFFE000  }
0x2d: {  	[spmem:s2] =	stream.indirect.scatter.add.f32 [tilespmem:s16], [sflag:$0x6], $0x40, s19, s14, $0xb8;
	[tilespmem:$0x17000] =	vst v63  }
0x2e: {  	_ =	swait.ge [sflag:s23], $0x2000  }
0x2f: {  	[sflag:s23] =	ssyncset.done $0x0  }
0x30: {  	s30 =	simm.s32 $0x2900;
	[sflag:s23] =	ssyncadd.s32 $0xFFFFE000  }
0x31: {  	[spmem:s2] =	stream.indirect.scatter.add.f32 [tilespmem:s18], [sflag:$0x7], $0x40, s30, s14, $0xb8;
	[tilespmem:$0x17000] =	vst v63  }
0x32: {  	_ =	swait.ge [sflag:s24], $0x2000  }
0x33: {  	[sflag:s24] =	ssyncset.done $0x0  }
0x34: {  	s19 =	simm.s32 $0x2980;
	[sflag:s24] =	ssyncadd.s32 $0xFFFFE000  }
0x35: {  	[spmem:s2] =	stream.indirect.scatter.add.f32 [tilespmem:s20], [sflag:$0x8], $0x40, s19, s14, $0xb8;
	[tilespmem:$0x17000] =	vst v63  }
0x36: {  	_ =	swait.ge [sflag:s25], $0x2000  }
0x37: {  	[sflag:s25] =	ssyncset.done $0x0  }
0x38: {  	s30 =	simm.s32 $0x200;
	[sflag:s25] =	ssyncadd.s32 $0xFFFFE000  }
0x39: {  	[tilespmem:s15], [sflag:$0x1] =	stream.indirect.gather [hbm4b:s4+s14], $0x40, s30, s14, $0xb8;
	[tilespmem:$0x17000] =	vst v63  }
0x3a: {  	_ =	swait.ge [sflag:s26], $0x2000  }
0x3b: {  	[sflag:s26] =	ssyncset.done $0x0  }
0x3c: {  	s19 =	simm.s32 $0x280;
	[sflag:s26] =	ssyncadd.s32 $0xFFFFE000  }
0x3d: {  	[tilespmem:s16], [sflag:$0x2] =	stream.indirect.gather [hbm4b:s4+s14], $0x40, s19, s14, $0xb8;
	[tilespmem:$0x17000] =	vst v63  }
0x3e: {  	_ =	swait.ge [sflag:s28], $0x2000  }
0x3f: {  	[sflag:s28] =	ssyncset.done $0x0  }
0x40: {  	s30 =	simm.s32 $0x300;
	[sflag:s28] =	ssyncadd.s32 $0xFFFFE000  }
0x41: {  	[tilespmem:s18], [sflag:$0x3] =	stream.indirect.gather [hbm4b:s4+s14], $0x40, s30, s14, $0xb8;
	[tilespmem:$0x17000] =	vst v63  }
0x42: {  	_ =	swait.ge [sflag:s29], $0x2000  }
0x43: {  	[sflag:s29] =	ssyncset.done $0x0  }
0x44: {  	s17 =	simm.s32 $0x800;
	s19 =	simm.s32 $0x380;
	[sflag:s29] =	ssyncadd.s32 $0xFFFFE000  }
.LBB2_2:
0x45: {  	[tilespmem:s20], [sflag:$0x4] =	stream.indirect.gather [hbm4b:s4+s14], $0x40, s19, s14, $0xb8;
	[tilespmem:$0x17000] =	vst v63  }
0x46: {  	s19 =	smov.u32 s17  }
0x47: {  	p0 =	sne.s32 s17, $0x9000;
	s17 =	sadd.s32 $0x800, s17;
	_ =	swait.ge [sflag:s21], $0x2000  }
0x48: {  	s19 =	sshra.s32 s19, $0x2;
	[sflag:s21] =	ssyncset.done $0x0  }
0x49: {  	s30 =	sadd.s32 $0x2800, s19;
	[sflag:s21] =	ssyncadd.s32 $0xFFFFE000  }
0x4a: {  	[spmem:s2] =	stream.indirect.scatter.add.f32 [tilespmem:s15], [sflag:$0x5], $0x40, s30, s14, $0xb8;
	[tilespmem:$0x17000] =	vst v63  }
0x4b: {  	_ =	swait.ge [sflag:s22], $0x2000  }
0x4c: {  	[sflag:s22] =	ssyncset.done $0x0  }
0x4d: {  	s30 =	sadd.s32 $0x2880, s19;
	[sflag:s22] =	ssyncadd.s32 $0xFFFFE000  }
0x4e: {  	[spmem:s2] =	stream.indirect.scatter.add.f32 [tilespmem:s16], [sflag:$0x6], $0x40, s30, s14, $0xb8;
	[tilespmem:$0x17000] =	vst v63  }
0x4f: {  	_ =	swait.ge [sflag:s23], $0x2000  }
0x50: {  	[sflag:s23] =	ssyncset.done $0x0  }
0x51: {  	s30 =	sadd.s32 $0x2900, s19;
	[sflag:s23] =	ssyncadd.s32 $0xFFFFE000  }
0x52: {  	[spmem:s2] =	stream.indirect.scatter.add.f32 [tilespmem:s18], [sflag:$0x7], $0x40, s30, s14, $0xb8;
	[tilespmem:$0x17000] =	vst v63  }
0x53: {  	_ =	swait.ge [sflag:s24], $0x2000  }
0x54: {  	[sflag:s24] =	ssyncset.done $0x0  }
0x55: {  	s30 =	sadd.s32 $0x2980, s19;
	[sflag:s24] =	ssyncadd.s32 $0xFFFFE000  }
0x56: {  	[spmem:s2] =	stream.indirect.scatter.add.f32 [tilespmem:s20], [sflag:$0x8], $0x40, s30, s14, $0xb8;
	[tilespmem:$0x17000] =	vst v63  }
0x57: {  	_ =	swait.ge [sflag:s25], $0x2000  }
0x58: {  	[sflag:s25] =	ssyncset.done $0x0  }
0x59: {  	s30 =	sadd.s32 $0x200, s19;
	[sflag:s25] =	ssyncadd.s32 $0xFFFFE000  }
0x5a: {  	[tilespmem:s15], [sflag:$0x1] =	stream.indirect.gather [hbm4b:s4+s14], $0x40, s30, s14, $0xb8;
	[tilespmem:$0x17000] =	vst v63  }
0x5b: {  	_ =	swait.ge [sflag:s26], $0x2000  }
0x5c: {  	[sflag:s26] =	ssyncset.done $0x0  }
0x5d: {  	s30 =	sadd.s32 $0x280, s19;
	[sflag:s26] =	ssyncadd.s32 $0xFFFFE000  }
0x5e: {  	[tilespmem:s16], [sflag:$0x2] =	stream.indirect.gather [hbm4b:s4+s14], $0x40, s30, s14, $0xb8;
	[tilespmem:$0x17000] =	vst v63  }
0x5f: {  	_ =	swait.ge [sflag:s28], $0x2000  }
0x60: {  	[sflag:s28] =	ssyncset.done $0x0  }
.Ltmp0:
0x61: {  	s30 =	sadd.s32 $0x300, s19;
	[sflag:s28] =	ssyncadd.s32 $0xFFFFE000;
	(pc) =	sbr.rel @p0 .LBB2_2-.Ltmp0, $4  }
0x62: {  	[tilespmem:s18], [sflag:$0x3] =	stream.indirect.gather [hbm4b:s4+s14], $0x40, s30, s14, $0xb8;
	[tilespmem:$0x17000] =	vst v63  }
0x63: {  	_ =	swait.ge [sflag:s29], $0x2000  }
0x64: {  	[sflag:s29] =	ssyncset.done $0x0  }
0x65: {  	s19 =	sadd.s32 $0x380, s19;
	[sflag:s29] =	ssyncadd.s32 $0xFFFFE000  }
0x66: {  	[tilespmem:s20], [sflag:$0x4] =	stream.indirect.gather [hbm4b:s4+s14], $0x40, s19, s14, $0xb8;
	[tilespmem:$0x17000] =	vst v63  }
0x67: {  	_ =	swait.ge [sflag:s21], $0x2000  }
0x68: {  	[sflag:s21] =	ssyncset.done $0x0  }
0x69: {  	s17 =	simm.s32 $0x4E00;
	[sflag:s21] =	ssyncadd.s32 $0xFFFFE000  }
0x6a: {  	[spmem:s2] =	stream.indirect.scatter.add.f32 [tilespmem:s15], [sflag:$0x5], $0x40, s17, s14, $0xb8;
	[tilespmem:$0x17000] =	vst v63  }
0x6b: {  	_ =	swait.ge [sflag:s22], $0x2000  }
0x6c: {  	[sflag:s22] =	ssyncset.done $0x0  }
0x6d: {  	[sflag:s22] =	ssyncadd.s32 $0xFFFFE000  }
0x6e: {  	[spmem:s2] =	stream.indirect.scatter.add.f32 [tilespmem:s16], [sflag:$0x6], $0x40, s31, s14, $0xb8;
	[tilespmem:$0x17000] =	vst v63  }
0x6f: {  	_ =	swait.ge [sflag:s23], $0x2000  }
0x70: {  	[sflag:s23] =	ssyncset.done $0x0  }
0x71: {  	[sflag:s23] =	ssyncadd.s32 $0xFFFFE000  }
0x72: {  	[spmem:s2] =	stream.indirect.scatter.add.f32 [tilespmem:s18], [sflag:$0x7], $0x40, s1, s14, $0xb8;
	[tilespmem:$0x17000] =	vst v63  }
0x73: {  	_ =	swait.ge [sflag:s24], $0x2000  }
0x74: {  	[sflag:s24] =	ssyncset.done $0x0  }
0x75: {  	[sflag:s24] =	ssyncadd.s32 $0xFFFFE000  }
0x76: {  	[spmem:s2] =	stream.indirect.scatter.add.f32 [tilespmem:s20], [sflag:$0x8], $0x40, s0, s14, $0xb8;
	[tilespmem:$0x17000] =	vst v63  }
0x77: {  	_ =	swait.ge [sflag:s25], $0x2000  }
0x78: {  	[sflag:s25] =	ssyncset.done $0x0  }
0x79: {  	[sflag:s25] =	ssyncadd.s32 $0xFFFFE000  }
0x7a: {  	_ =	swait.ge [sflag:s26], $0x2000  }
0x7b: {  	[sflag:s26] =	ssyncset.done $0x0  }
0x7c: {  	[sflag:s26] =	ssyncadd.s32 $0xFFFFE000  }
0x7d: {  	_ =	swait.ge [sflag:s28], $0x2000  }
0x7e: {  	[sflag:s28] =	ssyncset.done $0x0  }
0x7f: {  	[sflag:s28] =	ssyncadd.s32 $0xFFFFE000  }
0x80: {  	_ =	swait.ge [sflag:s29], $0x2000  }
0x81: {  	s13 =	sadd.s32 $0x1, s13;
	[sflag:s29] =	ssyncset.done $0x0  }
0x82: {  	p0 =	sne.s32 s13, s10;
	[sflag:s29] =	ssyncadd.s32 $0xFFFFE000  }
.Ltmp1:
0x83: {  	[bflag:$0x0] =	sbarrier.arrive $0xFFFF;
	(pc) =	sbr.rel @p0 .LBB2_1-.Ltmp1, $4  }
0x84: {  	[hbm:s9], [sflag:s6] =	dma.local [spmem:s11], $0x1400  }
0x85: {  	_ =	swait.ge [sflag:s12], $0x1400  }
0x86: {  	[sflag:s12] =	ssyncset.done $0x0  }
0x87: {  	[sflag:s12] =	ssyncadd.s32 $0xFFFFEC00  }
0x88: {  	_ =	sfence.sel $0x180000  }
0x89: {  	[bflag:$0x0] =	sbarrier.arrive $0xFFFF  }
0x8a: {  	_ =	strace $0x9000004D  }
0x8b: {  	s0 =	stileid.u32;
	[bflag:$0x2] =	sbarrier.arrive $0xFFFF  }
0x8c: {  	p0 =	sne.s32 s0, $0x0;
	s0 =	rddreg [dreg:$0x2]  }
0x8d: {  	s0 =	sadd.s32 @!p0 $0x100000, s0  }
0x8e: {  	[sflag:s0] =	ssyncadd.tile.s32 @!p0 $0x1;
	_ =	shalt  }
.Lfunc_end2:
_tile_overlayer_lowered:
.L_overlay_start_2:
0x8f: {  	(tag) =	ssettag $0x2  }
0x90: {  	s0 =	rddreg [dreg:$0x0];
	s2 =	stileid.u32  }
0x91: {  	s1 =	rddreg [dreg:$0x1];
	p0 =	sne.s32 s2, $0x0  }
0x92: {  	s3 =	rddreg [dreg:$0x2];
	[bflag:$0x3] =	sbarrier.arrive $0xFFFF;
	s2 =	simm.s32 @!p0 $0x1C09  }
0x93: {  	[timem:s3], [sflag:s2] =	dma.local @!p0 [hbm:s0], s1  }
0x94: {  	s0 =	simm.s32 @!p0 $0x9  }
0x95: {  	_ =	swait.ge @!p0 [sflag:s0], s1  }
0x96: {  	s1 =	ssub.s32 @!p0 $0x0, s1;
	[sflag:s0] =	ssyncset.done @!p0 $0x0  }
0x97: {  	[sflag:s0] =	ssyncadd.s32 @!p0 s1  }
0x98: {  	[bflag:$0x3] =	sbarrier.arrive $0xFFFF  }
0x99: {  	_ =	shalt  }

// kernel: kernel.9.cloned.1.call-start
scs
__scs_entry_jumppad:
0x0: {  	(pc) =	sbr.rel $0x88, $3  }
0x1: {  	(tag) =	ssettag $0x0;
	lr =	simm.s32 $0x1  }
0x2: {  	[smem:$0x3F99] =	sst lr;
	_ =	strace $0xD0000000  }
0x3: {  	_ = 	snop  }
0x4: {  	_ = 	snop  }
0x5: {  	_ = 	snop  }
0x6: {  	_ = 	snop  }
0x7: {  	_ = 	snop  }
__scs_overlays_trampoline_lowered:
0x8: {  	[smem:$0x3FA8] =	sst s0  }
0x9: {  	[smem:$0x3FA9] =	sst s1  }
0xa: {  	[smem:$0x3FAA] =	sst s2  }
0xb: {  	[smem:$0x3FAB] =	sst s3  }
0xc: {  	[smem:$0x3FAC] =	sst s4  }
0xd: {  	[smem:$0x3FAD] =	sst s5  }
0xe: {  	[smem:$0x3FAE] =	sst s6  }
0xf: {  	[smem:$0x3FAF] =	sst s7  }
0x10: {  	[smem:$0x3FB0] =	sst s8  }
0x11: {  	[smem:$0x3FB1] =	sst s9;
	s0 =	simm.s32 @!p0 $0x0  }
0x12: {  	s1 =	sld [smem:$0x3F97];
	s0 =	simm.s32 @p0 $0x1  }
0x13: {  	[smem:$0x3FB2] =	sst s0;
	s0 =	simm.s32 @!p1 $0x0  }
0x14: {  	s2 =	sld [smem:$0x3F96];
	s0 =	simm.s32 @p1 $0x1  }
0x15: {  	[smem:$0x3FB3] =	sst s0;
	s0 =	simm.s32 @!p2 $0x0  }
0x16: {  	s3 =	sld [smem:$0x3FDB];
	s0 =	simm.s32 @p2 $0x1  }
0x17: {  	s4 =	simm.s32 $0x1BF5;
	[smem:$0x3FB5] =	sst s0  }
0x18: {  	s0 =	sld [smem:$0x3F98];
	_ =	swait.ge [sflag:s4], $0x0  }
0x19: {  	s7 =	sld [smem:$0x3F99]  }
0x1a: {  	s8 =	sadd.s32 $0xFFFFE003, lr  }
0x1b: {  	s9 =	sadd.s32 $0xFFFFFEF7, lr;
	s5 =	simm.s32 $0xFFFFFFFF;
	p2 =	slt.u32 s8, $0xFFFFF086  }
0x1c: {  	p1 =	slt.u32 s9, $0xF7A;
	s5 =	simm.s32 @!p2 $0x0  }
0x1d: {  	s5 =	simm.s32 @p1 $0x1;
	p0 =	seq.s32 s7, s2  }
0x1e: {  	s7 =	smul.u32 @!p0 $0xF7A, s2;
	p2 =	seq.s32 @!p0 s5, $0x0  }
0x1f: {  	s9 =	smul.u32 $0xF7A, s1;
	s8 =	simm.s32 @!p0 $0x1BF5;
	p2 =	por !p2, p0  }
0x20: {  	[sflag:s8] =	ssyncset.s32 @!p0 $0xFFFFF086;
	s6 =	sadd.s32 @!p0 s3, s7;
	s7 =	simm.s32 @!p0 $0x108  }
0x21: {  	s3 =	sadd.s32 s3, s9;
	s6 =	sadd.s32 @!p0 $0x88, s6;
	s7 =	simm.s32 @p2 $0x1082  }
0x22: {  	[simem:s7], [sflag:s8] =	dma.local @!p0 [hbm:s6], $0xF7A  }
0x23: {  	s9 =	sor.u32 $0xD0000000, s2;
	s6 =	simm.s32 $0x108;
	_ =	swait.ge @!p0 [sflag:s8], $0x0  }
0x24: {  	s3 =	sadd.s32 $0x88, s3;
	s6 =	simm.s32 @!p1 $0x1082;
	[sflag:s4] =	ssyncset.s32 $0xFFFFF086  }
0x25: {  	[simem:s6], [sflag:s4] =	dma.local [hbm:s3], $0xF7A  }
0x26: {  	[smem:$0x3F99] =	sst s1;
	(tag) =	ssettag s2;
	_ =	strace s9  }
0x27: {  	s1 =	sld [smem:$0x3FA9]  }
0x28: {  	s2 =	sld [smem:$0x3FAA]  }
0x29: {  	s4 =	sld [smem:$0x3FAC]  }
0x2a: {  	p0 =	seq.s32 s5, $0x0;
	s5 =	sld [smem:$0x3FAD]  }
0x2b: {  	s6 =	sld [smem:$0x3FAE]  }
0x2c: {  	s7 =	sld [smem:$0x3FAF]  }
0x2d: {  	s3 =	simm.s32 $0x108;
	s8 =	sld [smem:$0x3FB0]  }
0x2e: {  	s3 =	simm.s32 @!p0 $0x1082;
	s9 =	sld [smem:$0x3FB1]  }
0x2f: {  	lr =	sadd.s32 s0, s3;
	s0 =	sld [smem:$0x3FA8]  }
0x30: {  	s3 =	sld [smem:$0x3FAB]  }
0x31: {  	[smem:$0x3FB4] =	sst s10  }
0x32: {  	s10 =	sld [smem:$0x3FB2];
	_ =	sdelay $0x3  }
0x33: {  	p0 =	seq.s32 s10, $0x1;
	s10 =	sld [smem:$0x3FB4];
	_ =	sdelay $0x3  }
0x34: {  	[smem:$0x3FB4] =	sst s10  }
0x35: {  	s10 =	sld [smem:$0x3FB3];
	_ =	sdelay $0x3  }
0x36: {  	p1 =	seq.s32 s10, $0x1;
	s10 =	sld [smem:$0x3FB4];
	_ =	sdelay $0x3  }
0x37: {  	[smem:$0x3FB4] =	sst s10  }
0x38: {  	s10 =	sld [smem:$0x3FB5]  }
0x39: {  	_ = 	snop;
	(pc) =	sbr.ind lr, $3  }
0x3a: {  	_ = 	snop  }
0x3b: {  	_ = 	snop  }
0x3c: {  	p2 =	seq.s32 s10, $0x1;
	s10 =	sld [smem:$0x3FB4]  }
0x3d: {  	_ =	shalt  }
0x3e: {  	_ =	shalt  }
0x3f: {  	_ =	shalt  }
0x40: {  	_ =	shalt  }
0x41: {  	_ =	shalt  }
0x42: {  	_ =	shalt  }
0x43: {  	_ =	shalt  }
0x44: {  	_ =	shalt  }
0x45: {  	_ =	shalt  }
0x46: {  	_ =	shalt  }
0x47: {  	_ =	shalt  }
0x48: {  	_ =	shalt  }
0x49: {  	_ =	shalt  }
0x4a: {  	_ =	shalt  }
0x4b: {  	_ =	shalt  }
0x4c: {  	_ =	shalt  }
0x4d: {  	_ =	shalt  }
0x4e: {  	_ =	shalt  }
0x4f: {  	_ =	shalt  }
0x50: {  	_ =	shalt  }
0x51: {  	_ =	shalt  }
0x52: {  	_ =	shalt  }
0x53: {  	_ =	shalt  }
0x54: {  	_ =	shalt  }
0x55: {  	_ =	shalt  }
0x56: {  	_ =	shalt  }
0x57: {  	_ =	shalt  }
0x58: {  	_ =	shalt  }
0x59: {  	_ =	shalt  }
0x5a: {  	_ =	shalt  }
0x5b: {  	_ =	shalt  }
0x5c: {  	_ =	shalt  }
0x5d: {  	_ =	shalt  }
0x5e: {  	_ =	shalt  }
0x5f: {  	_ =	shalt  }
0x60: {  	_ =	shalt  }
0x61: {  	_ =	shalt  }
0x62: {  	_ =	shalt  }
0x63: {  	_ =	shalt  }
0x64: {  	_ =	shalt  }
0x65: {  	_ =	shalt  }
0x66: {  	_ =	shalt  }
0x67: {  	_ =	shalt  }
0x68: {  	_ =	shalt  }
0x69: {  	_ =	shalt  }
0x6a: {  	_ =	shalt  }
0x6b: {  	_ =	shalt  }
0x6c: {  	_ =	shalt  }
0x6d: {  	_ =	shalt  }
0x6e: {  	_ =	shalt  }
0x6f: {  	_ =	shalt  }
0x70: {  	_ =	shalt  }
0x71: {  	_ =	shalt  }
0x72: {  	_ =	shalt  }
0x73: {  	_ =	shalt  }
0x74: {  	_ =	shalt  }
0x75: {  	_ =	shalt  }
0x76: {  	_ =	shalt  }
0x77: {  	_ =	shalt  }
0x78: {  	_ =	shalt  }
0x79: {  	_ =	shalt  }
0x7a: {  	_ =	shalt  }
0x7b: {  	_ =	shalt  }
0x7c: {  	_ =	shalt  }
0x7d: {  	_ =	shalt  }
0x7e: {  	_ =	shalt  }
0x7f: {  	_ =	shalt  }
0x80: {  	_ =	shalt  }
0x81: {  	_ =	shalt  }
0x82: {  	_ =	shalt  }
0x83: {  	_ =	shalt  }
0x84: {  	_ =	shalt  }
0x85: {  	_ =	shalt  }
0x86: {  	_ =	shalt  }
0x87: {  	_ =	shalt  }
.Lfunc_end0:
.L_simem_size_0:
called_computation_lowered:
.L_overlay_start_0:
0x88: {  	s2 =	sld [smem:$0x3FD9]  }
0x89: {  	s3 =	sld [smem:$0x3FFE];
	_ =	sdelay $0x1  }
0x8a: {  	s1 =	srdreg.scid  }
0x8b: {  	s0 =	sand.u32 $0x1, s1  }
0x8c: {  	s17 =	sshll.u32 s0, $0xA;
	s2 =	sadd.s32 s3, s2  }
0x8d: {  	s2 =	sadd.s32 s2, s17  }
0x8e: {  	[smem:$0x3FC0] =	sst s2  }
0x8f: {  	_ = 	snop  }
0x90: {  	s2 =	sld [smem:$0x3FD0];
	(tm) =	ssettm $0x1  }
0x91: {  	s18 =	sld [smem:$0x3FFB];
	_ =	sdelay $0x3  }
0x92: {  	_ =	strace s18  }
0x93: {  	s3 =	sld [smem:$0x3FFC];
	_ =	sdelay $0x3  }
0x94: {  	_ =	strace s3  }
0x95: {  	s3 =	sld [smem:$0x3FFD];
	_ =	sdelay $0x3  }
0x96: {  	_ =	strace s3  }
0x97: {  	_ =	strace $0x8FFFFFFF  }
0x98: {  	s19 =	sld [smem:$0x3FDB];
	_ =	sdelay $0x1  }
0x99: {  	s4 =	simm.s32 $_scs_section_size  }
0x9a: {  	s5 =	simm.s32 $_size__tile_overlayer_lowered;
	s6 =	simm.s32 $_tile_overlayer_lowered  }
0x9b: {  	s22 =	simm.s32 $0x1BFF;
	s21 =	sshll.u32 s6, $0x1;
	s3 =	sadd.s32 s4, s19  }
0x9c: {  	s7 =	simm.s32 $0x0;
	s20 =	sshll.u32 s5, $0x1;
	s5 =	sadd.s32 s21, s3  }
0x9d: {  	[timem:s7], [sflag:s22] =	dma.local [hbm:s5], s20  }
0x9e: {  	_ =	swait.ge [sflag:s22], s20  }
0x9f: {  	s4 =	ssub.s32 $0x0, s20;
	[sflag:s22] =	ssyncset.done $0x0  }
0xa0: {  	[sflag:s22] =	ssyncadd.s32 s4;
	_ =	sdelay $0x1  }
0xa1: {  	s23 =	simm.s32 $0x1B8B  }
0xa2: {  	_ =	swait.ge [sflag:s23], $0x1  }
0xa3: {  	[sflag:s23] =	ssyncset.done $0x0  }
0xa4: {  	s25 =	simm.s32 $0x1B8E;
	s24 =	sld [smem:$0x3FFE];
	[sflag:s23] =	ssyncadd.s32 $0xFFFFFFFF  }
0xa5: {  	s26 =	simm.s32 $execute0_lowered;
	[smem:$0x3FD2] =	sst s25  }
0xa6: {  	s5 =	sshll.u32 s26, $0x1;
	_ =	strace $0x80000046;
	[dreg:$0x1] =	wrdreg $0xFFFFFFFF  }
0xa7: {  	s28 =	simm.s32 $_size_execute0_lowered;
	s3 =	sadd.s32 s3, s5;
	[dreg:$0x0] =	wrdreg $0x0  }
0xa8: {  	s5 =	sshll.u32 s28, $0x1;
	[dreg:$0x2] =	wrdreg s3  }
0xa9: {  	[dreg:$0x3] =	wrdreg s5  }
0xaa: {  	[dreg:$0x4] =	wrdreg $0xC0  }
0xab: {  	_ =	task [dreg:s7], $0x5FFFF  }
0xac: {  	[dreg:$0x1] =	wrdreg $0xFFFFFFFF  }
0xad: {  	[dreg:$0x0] =	wrdreg $0x60  }
0xae: {  	[dreg:$0x2] =	wrdreg s24  }
0xaf: {  	[dreg:$0x3] =	wrdreg s2  }
0xb0: {  	[dreg:$0x4] =	wrdreg $0x30000  }
0xb1: {  	[dreg:$0x5] =	wrdreg $0x9  }
0xb2: {  	_ =	task.clear_ibuf [dreg:s7], $0x6FFFF;
	_ =	strace $0x90000046  }
0xb3: {  	s29 =	simm.s32 $0x9;
	_ =	strace $0x80000048  }
0xb4: {  	_ =	swait.ge [sflag:s29], $0x1  }
0xb5: {  	[sflag:s29] =	ssyncadd.s32 $0xFFFFFFFF  }
0xb6: {  	_ =	strace $0x90000048  }
0xb7: {  	_ =	sfence  }
0xb8: {  	s30 =	sld [smem:$0x0];
	_ =	sdelay $0x2  }
0xb9: {  	s31 =	sshll.u32 s1, $0xD;
	s1 =	sshrl.u32 s1, $0x2  }
0xba: {  	s3 =	sand.u32 $0x4000, s31;
	s1 =	sadd.s32 s1, s30  }
0xbb: {  	s0 =	sor.u32 s3, s0;
	s1 =	sshll.u32 s1, $0x11  }
0xbc: {  	s0 =	sor.u32 s1, s0  }
0xbd: {  	s0 =	sadd.s32 $0x8F2B, s0  }
0xbe: {  	[sflag:s0] =	ssyncadd.remote.s32 $0x1  }
0xbf: {  	_ =	sfence.sel $0xFFFF  }
0xc0: {  	[dreg:$0x0] =	wrdreg $0xFFFFFFFF;
	(pc) =	sbr.abs _section_cstart, $3  }
0xc1: {  	[dreg:$0x1] =	wrdreg $0xFFFFFFFF  }
0xc2: {  	_ =	task.clear_ibuf [dreg:s7], $0x2FFFF;
	_ =	strace $0x9FFFFFFF  }
0xc3: {  	(tm) =	ssettm $0x7FFFFFFF  }
tec
execute0_lowered:
.L_overlay_start_1:
0x0: {  	(tag) =	ssettag $0x1  }
0x1: {  	s6 =	rddreg [dreg:$0x0]  }
0x2: {  	s2 =	rddreg [dreg:$0x1]  }
0x3: {  	s0 =	srdreg.scid;
	s3 =	rddreg [dreg:$0x2]  }
0x4: {  	s1 =	stileid.u32;
	s4 =	simm.s32 $0x0;
	s12 =	simm.s32 $0x2800  }
0x5: {  	s13 =	simm.s32 $0x80;
	s5 =	sand.u32 $0x1, s0;
	s0 =	rddreg [dreg:$0x3]  }
0x6: {  	s14 =	simm.s32 $0x0;
	s8 =	smul.u32 $0x2800, s1;
	[smem:$0x7FF] =	sst s4  }
0x7: {  	s31 =	sshll.u32 s1, $0x6;
	s7 =	sshll.u32 s5, $0x4;
	s9 =	smul.u32 $0x28000, s5  }
0x8: {  	_ =	strace $0x80000047;
	s10 =	ssub.s32 $0x2, s5;
	s7 =	sor.u32 s1, s7  }
0x9: {  	s5 =	sadd.s32 $0xC200, s6;
	s7 =	smul.u32 $0x500, s7;
	s9 =	sadd.s32 s8, s9  }
0xa: {  	s30 =	sshrl.u32 s10, $0x1;
	s11 =	sadd.s32 s8, s3;
	s9 =	sshrl.u32 s9, $0x3  }
0xb: {  	s10 =	ssub.s32 s10, s30;
	s7 =	sadd.s32 s7, s6;
	s9 =	sadd.s32 s9, s6  }
0xc: {  	s6 =	sor.u32 $0x1C01, s31;
	s7 =	sadd.s32 $0x2200, s7;
	s8 =	sadd.s32 $0xC400, s9  }
0xd: {  	s9 =	smax.u32 s10, $0x1;
	s10 =	sshrl.u32 s11, $0x3;
	s11 =	simm.s32 $0x1  }
.LBB2_1:
0xe: {  	[spmem:s10], [sflag:s6] =	dma.local [hbm:s2], $0x500  }
0xf: {  	_ =	swait.ge [sflag:s11], $0x500  }
0x10: {  	[sflag:s11] =	ssyncset.done $0x0  }
0x11: {  	[sflag:s11] =	ssyncadd.s32 $0xFFFFFB00  }
0x12: {  	[tilespmem:s12], [sflag:$0x1] =	stream.linear.gather [hbm4b:s5+s4], $0x800, $0x38;
	[tilespmem:$0x5800] =	vst v63  }
0x13: {  	_ =	swait.ge [sflag:s11], $0x800  }
0x14: {  	[sflag:s11] =	ssyncset.done $0x0  }
0x15: {  	[sflag:s11] =	ssyncadd.s32 $0xFFFFF800  }
0x16: {  	[tilespmem:s4], [sflag:$0x1] =	stream.linear.gather [hbm4b:s7+s4], $0x2800, $0x38;
	[tilespmem:$0x5800] =	vst v63  }
0x17: {  	_ =	swait.ge [sflag:s11], $0x2800  }
0x18: {  	[sflag:s11] =	ssyncset.done $0x0  }
0x19: {  	[sflag:s11] =	ssyncadd.s32 $0xFFFFD800  }
0x1a: {  	s15 =	simm.s32 $0x0;
	[bflag:$0x0] =	sbarrier.arrive $0xFFFF  }
0x1b: {  	[spmem:s3] =	stream.indirect.scatter.add.f32 [tilespmem:s12], [sflag:$0x1], $0x10, s15, s13, $0xb8;
	[tilespmem:$0x5800] =	vst v63  }
0x1c: {  	_ =	swait.ge [sflag:s11], $0x800  }
0x1d: {  	s15 =	simm.s32 $0x200;
	[sflag:s11] =	ssyncset.done $0x0  }
.LBB2_2:
0x1e: {  	s16 =	sshra.s32 s15, $0x2;
	[sflag:s11] =	ssyncadd.s32 $0xFFFFF800;
	p0 =	sne.s32 s15, $0x9E00  }
0x1f: {  	[spmem:s3] =	stream.indirect.scatter.add.f32 [tilespmem:s12], [sflag:$0x1], $0x10, s16, s13, $0xb8;
	[tilespmem:$0x5800] =	vst v63  }
.Ltmp0:
0x20: {  	_ = 	snop;
	(pc) =	sbr.rel @p0 .LBB2_2-.Ltmp0, $4  }
0x21: {  	_ = 	snop  }
0x22: {  	s15 =	sadd.s32 $0x200, s15  }
0x23: {  	_ =	swait.ge [sflag:s11], $0x800  }
0x24: {  	[sflag:s11] =	ssyncset.done $0x0  }
0x25: {  	s14 =	sadd.s32 $0x1, s14  }
0x26: {  	[sflag:s11] =	ssyncadd.s32 $0xFFFFF800;
	p0 =	sne.s32 s14, s9  }
.Ltmp1:
0x27: {  	[bflag:$0x0] =	sbarrier.arrive $0xFFFF;
	(pc) =	sbr.rel @p0 .LBB2_1-.Ltmp1, $4  }
0x28: {  	[hbm:s8], [sflag:s6] =	dma.local [spmem:s10], $0x500  }
0x29: {  	_ =	swait.ge [sflag:s11], $0x500  }
0x2a: {  	[sflag:s11] =	ssyncset.done $0x0  }
0x2b: {  	[sflag:s11] =	ssyncadd.s32 $0xFFFFFB00  }
0x2c: {  	_ =	sfence.sel $0x180000  }
0x2d: {  	[bflag:$0x0] =	sbarrier.arrive $0xFFFF  }
0x2e: {  	p0 =	sne.s32 s1, $0x0;
	_ =	strace $0x90000047  }
0x2f: {  	s0 =	sadd.s32 @!p0 $0x100000, s0;
	[bflag:$0x2] =	sbarrier.arrive $0xFFFF  }
0x30: {  	[sflag:s0] =	ssyncadd.tile.s32 @!p0 $0x1;
	_ =	shalt  }
.Lfunc_end2:
_tile_overlayer_lowered:
.L_overlay_start_2:
0x31: {  	(tag) =	ssettag $0x2  }
0x32: {  	s0 =	rddreg [dreg:$0x0];
	s2 =	stileid.u32  }
0x33: {  	s1 =	rddreg [dreg:$0x1];
	p0 =	sne.s32 s2, $0x0  }
0x34: {  	s3 =	rddreg [dreg:$0x2];
	[bflag:$0x3] =	sbarrier.arrive $0xFFFF;
	s2 =	simm.s32 @!p0 $0x1C01  }
0x35: {  	[timem:s3], [sflag:s2] =	dma.local @!p0 [hbm:s0], s1  }
0x36: {  	s0 =	simm.s32 @!p0 $0x1  }
0x37: {  	_ =	swait.ge @!p0 [sflag:s0], s1  }
0x38: {  	s1 =	ssub.s32 @!p0 $0x0, s1;
	[sflag:s0] =	ssyncset.done @!p0 $0x0  }
0x39: {  	[sflag:s0] =	ssyncadd.s32 @!p0 s1  }
0x3a: {  	[bflag:$0x3] =	sbarrier.arrive $0xFFFF  }
0x3b: {  	_ =	shalt  }

</sc_bundles>
